<compile_context>
chip_gen: v7x
topology: tpu7x:2x2x1
jax: 0.10.2.dev20260603
libtpu: 0.0.44.dev20260713+nightly
codegen_flags: <defaults>
</compile_context>

<pallas_src>
import functools

import jax
import jax.numpy as jnp
from jax import lax
from jax.experimental import pallas as pl
from jax.experimental.pallas import tpu as pltpu
from jax.experimental.pallas import tpu_sc as plsc

N = 10000
E = 160000
D = 256

EPAD = 163840
EROWS = EPAD // 128
EC = 1024
NB = 1000

_MESH = plsc.VectorSubcoreMesh(core_axis_name="c", subcore_axis_name="s")


@functools.partial(
    pl.kernel,
    out_type=jax.ShapeDtypeStruct((EPAD, D), jnp.float32),
    mesh=_MESH,
    scratch_types=[
        pltpu.VMEM((EROWS // 32, 128), jnp.int32),
        pltpu.VMEM((8, 16), jnp.int32),
        pltpu.VMEM((128, D), jnp.float32),
        pltpu.SemaphoreType.DMA,
    ],
)
def _gather_kernel(src_hbm, y_hbm, msg_out, srcv, sidx, rows_v, sem):
    c = lax.axis_index("c")
    s = lax.axis_index("s")
    w = c * 16 + s
    rows_per_w = EROWS // 32

    pltpu.sync_copy(src_hbm.at[pl.ds(w * rows_per_w, rows_per_w)], srcv)

    def _edge_row(j, _):
        for k in range(8):
            sidx[k, pl.ds(0, 16)] = srcv[j, pl.ds(k * 16, 16)]
        cps = [
            pltpu.async_copy(y_hbm.at[sidx.at[k]],
                             rows_v.at[pl.ds(k * 16, 16)], sem)
            for k in range(8)
        ]
        for cp in cps:
            cp.wait()
        pltpu.sync_copy(rows_v,
                        msg_out.at[pl.ds((w * rows_per_w + j) * 128, 128)])
        return 0
    lax.fori_loop(0, rows_per_w, _edge_row, 0)


def _deg_body(dst_ref, o_ref):
    i = pl.program_id(0)
    j = pl.program_id(1)
    ids = lax.broadcasted_iota(jnp.int32, (NB, EC), 0) + i * NB
    oneh = (ids == dst_ref[0]).astype(jnp.float32)
    contrib = jnp.sum(oneh, axis=1, keepdims=True)

    @pl.when(j == 0)
    def _():
        o_ref[...] = contrib

    @pl.when(j > 0)
    def _():
        o_ref[...] = o_ref[...] + contrib


def _linear_body(deg_ref, x_ref, w_ref, y_ref, dis_ref):
    deg = deg_ref[:, 0] + 1.0
    dis = lax.rsqrt(deg)
    xw = jnp.dot(x_ref[...], w_ref[...], preferred_element_type=jnp.float32)
    y_ref[...] = xw * dis[:, None]
    dis_ref[...] = dis[:, None]


def _segsum_body(dst_ref, msg_ref, o_ref):
    i = pl.program_id(0)
    j = pl.program_id(1)
    ids = lax.broadcasted_iota(jnp.int32, (NB, EC), 0) + i * NB
    oneh = (ids == dst_ref[0]).astype(jnp.bfloat16)
    contrib = jnp.dot(oneh, msg_ref[...].astype(jnp.bfloat16),
                      preferred_element_type=jnp.float32)

    @pl.when(j == 0)
    def _():
        o_ref[...] = contrib

    @pl.when(j > 0)
    def _():
        o_ref[...] = o_ref[...] + contrib


def _epilogue_body(acc_ref, y_ref, dis_ref, b_ref, o_ref):
    val = dis_ref[...] * (acc_ref[...] + y_ref[...]) + b_ref[...]
    o_ref[...] = jnp.maximum(val, 0.0)


def kernel(x, edge_index, W, b):
    src = edge_index[0].astype(jnp.int32)
    dst = edge_index[1].astype(jnp.int32)
    padn = EPAD - E
    src_p = jnp.concatenate([src, jnp.zeros((padn,), jnp.int32)])
    dst_p = jnp.concatenate(
        [dst, jnp.full((padn,), N, dtype=jnp.int32)])
    src2d = src_p.reshape(EROWS, 128)
    dstch = dst_p.reshape(EPAD // EC, 1, EC)

    nblk = N // NB
    echk = EPAD // EC

    deg = pl.pallas_call(
        _deg_body,
        grid=(nblk, echk),
        in_specs=[pl.BlockSpec((1, 1, EC), lambda i, j: (j, 0, 0))],
        out_specs=pl.BlockSpec((NB, 1), lambda i, j: (i, 0)),
        out_shape=jax.ShapeDtypeStruct((N, 1), jnp.float32),
    )(dstch)

    y, dis = pl.pallas_call(
        _linear_body,
        grid=(nblk,),
        in_specs=[
            pl.BlockSpec((NB, 1), lambda i: (i, 0)),
            pl.BlockSpec((NB, D), lambda i: (i, 0)),
            pl.BlockSpec((D, D), lambda i: (0, 0)),
        ],
        out_specs=[
            pl.BlockSpec((NB, D), lambda i: (i, 0)),
            pl.BlockSpec((NB, 1), lambda i: (i, 0)),
        ],
        out_shape=[
            jax.ShapeDtypeStruct((N, D), jnp.float32),
            jax.ShapeDtypeStruct((N, 1), jnp.float32),
        ],
    )(deg, x, W)

    msg = _gather_kernel(src2d, y)

    acc = pl.pallas_call(
        _segsum_body,
        grid=(nblk, echk),
        in_specs=[
            pl.BlockSpec((1, 1, EC), lambda i, j: (j, 0, 0)),
            pl.BlockSpec((EC, D), lambda i, j: (j, 0)),
        ],
        out_specs=pl.BlockSpec((NB, D), lambda i, j: (i, 0)),
        out_shape=jax.ShapeDtypeStruct((N, D), jnp.float32),
    )(dstch, msg)

    out = pl.pallas_call(
        _epilogue_body,
        grid=(nblk,),
        in_specs=[
            pl.BlockSpec((NB, D), lambda i: (i, 0)),
            pl.BlockSpec((NB, D), lambda i: (i, 0)),
            pl.BlockSpec((NB, 1), lambda i: (i, 0)),
            pl.BlockSpec((1, D), lambda i: (0, 0)),
        ],
        out_specs=pl.BlockSpec((NB, D), lambda i: (i, 0)),
        out_shape=jax.ShapeDtypeStruct((N, D), jnp.float32),
    )(acc, y, dis, b.reshape(1, D))
    return out

# --- scband reference (transcript-rebuilt; emitter-appended) ---
"""Pipeline reference for scband-crd-4604204942080 (READ-ONLY COPY).

The authoritative reference and input builder live on the scoring server;
editing this copy changes nothing except your own understanding.
"""

import jax, jax.numpy as jnp
import numpy as np

N_NODES = 10000
N_EDGES = 160000
IN_SIZE = 256
OUT_SIZE = 256

def setup_inputs(seed: int = 0) -> dict:
    key = jax.random.key(seed)
    k1, k2, k3, k4 = jax.random.split(key, 4)
    x = jax.random.normal(k1, (N_NODES, IN_SIZE), dtype=jnp.float32)
    edge_index = jax.random.randint(k2, (2, N_EDGES), 0, N_NODES, dtype=jnp.int64)
    # Glorot init for GCN weight, zeros for bias (PyG defaults)
    limit = float(np.sqrt(6.0 / (IN_SIZE + OUT_SIZE)))
    W = jax.random.uniform(k3, (IN_SIZE, OUT_SIZE), dtype=jnp.float32, minval=-limit, maxval=limit)
    b = jnp.zeros((OUT_SIZE,), dtype=jnp.float32)
    return {"x": x, "edge_index": edge_index, "W": W, "b": b}

def reference(x, edge_index, W, b):
    # CRD.forward: relu(GCNConv(x, edge_index)); dropout is identity in eval mode.
    N = x.shape[0]
    src = edge_index[0]
    dst = edge_index[1]
    # gcn_norm with add_self_loops=True
    loop = jnp.arange(N, dtype=src.dtype)
    src = jnp.concatenate([src, loop], axis=0)
    dst = jnp.concatenate([dst, loop], axis=0)
    ew = jnp.ones(src.shape[0], dtype=x.dtype)
    deg = jax.ops.segment_sum(ew, dst, num_segments=N)
    deg_inv_sqrt = jnp.where(deg > 0, deg ** -0.5, 0.0)
    norm = deg_inv_sqrt[src] * ew * deg_inv_sqrt[dst]
    # linear transform then normalized message passing (gather -> scale -> scatter-add)
    xw = x @ W
    msg = jnp.take(xw, src, axis=0) * norm[:, None]
    out = jax.ops.segment_sum(msg, dst, num_segments=N)
    out = out + b
    return jax.nn.relu(out)

if __name__ == "__main__":
    import jax
    _d = setup_inputs()
    print(jax.jit(kernel)(*tuple(_d.values())))

</pallas_src>

<mosaic_0001>
#map = affine_map<(d0, d1) -> (0, 0)>
module attributes {stable_mosaic.version = 14 : i64} {
  func.func @_gather_kernel(%arg0: i32, %arg1: i32, %arg2: memref<1280x128xi32, #tpu.memory_space<hbm>>, %arg3: memref<10000x256xf32, #tpu.memory_space<hbm>>, %arg4: memref<163840x256xf32, #tpu.memory_space<hbm>>, %arg5: memref<40x128xi32, #tpu.memory_space<vmem>>, %arg6: memref<8x16xi32, #tpu.memory_space<vmem>>, %arg7: memref<128x256xf32, #tpu.memory_space<vmem>>, %arg8: memref<!tpu.dma_semaphore, #tpu.memory_space<semaphore_mem>>) attributes {dimension_semantics = [#tpu.dimension_semantics<core_parallel>, #tpu.dimension_semantics<subcore_parallel>], iteration_bounds = array<i64: 2, 16>, scalar_prefetch = 0 : i64, scratch_operands = 4 : i64, tpu.core_type = #tpu.core_type<sc_vector_subcore>, window_params = [{transform_indices = #map}, {transform_indices = #map}, {transform_indices = #map}]} {
    %mul3A = arith.constant 16 : i32
    %mul3A_0 = arith.muli %arg0, %mul3A : i32
    %add3A = arith.addi %mul3A_0, %arg1 : i32
    %mul3A_1 = arith.constant 40 : i32
    %mul3A_2 = arith.muli %add3A, %mul3A_1 : i32
    "tpu.region"() ({
      %run_scoped3A = tpu.sem_alloc : memref<!tpu.dma_semaphore, #tpu.memory_space<semaphore_mem>>
      %dma_start3A = arith.constant 0 : i32
      %dma_start3A_9 = tpu.memref_slice %arg2[%mul3A_2, %dma_start3A] : memref<1280x128xi32, #tpu.memory_space<hbm>> -> memref<40x128xi32, #tpu.memory_space<hbm>>
      %dma_start3A_10 = arith.constant 0 : i32
      %dma_start3A_11 = tpu.memref_slice %arg2[%mul3A_2, %dma_start3A_10] : memref<1280x128xi32, #tpu.memory_space<hbm>> -> memref<40x128xi32, #tpu.memory_space<hbm>>
      tpu.enqueue_dma source(%dma_start3A_11 : memref<40x128xi32, #tpu.memory_space<hbm>>) target(%arg5 : memref<40x128xi32, #tpu.memory_space<vmem>>) target_semaphore(%run_scoped3A : memref<!tpu.dma_semaphore, #tpu.memory_space<semaphore_mem>>)
      %dma_wait3A = arith.constant 0 : i32
      %dma_wait3A_12 = tpu.memref_slice %arg2[%mul3A_2, %dma_wait3A] : memref<1280x128xi32, #tpu.memory_space<hbm>> -> memref<40x128xi32, #tpu.memory_space<hbm>>
      %dma_wait3A_13 = arith.constant 0 : i32
      %dma_wait3A_14 = tpu.memref_slice %arg2[%mul3A_2, %dma_wait3A_13] : memref<1280x128xi32, #tpu.memory_space<hbm>> -> memref<40x128xi32, #tpu.memory_space<hbm>>
      tpu.wait_dma2 semaphore(%run_scoped3A : memref<!tpu.dma_semaphore, #tpu.memory_space<semaphore_mem>>) src(%dma_wait3A_14 : memref<40x128xi32, #tpu.memory_space<hbm>>) dst(%arg5 : memref<40x128xi32, #tpu.memory_space<vmem>>)
      tpu.yield
    }) : () -> ()
    %scan3A = arith.constant 0 : i32
    %scan3A_3 = arith.constant 0 : i32
    %scan3A_4 = arith.constant 40 : i32
    %scan3A_5 = arith.addi %scan3A_3, %scan3A_4 : i32
    %scan3A_6 = arith.constant 1 : i32
    %scan3A_7 = scf.for %scan3A_9 = %scan3A_3 to %scan3A_5 step %scan3A_6 iter_args(%scan3A_10 = %scan3A) -> (i32)  : i32 {
      %get3A = arith.index_cast %scan3A_9 : i32 to index
      %get3A_11 = arith.constant 0 : index
      %get3A_12 = tpu.vector_load %arg5[%get3A, %get3A_11] {strides = array<i32>} : memref<40x128xi32, #tpu.memory_space<vmem>>, vector<1x16xi32>,
      %get3A_13 = vector.shape_cast %get3A_12 : vector<1x16xi32> to vector<16xi32>
      %swap3A = arith.constant 0 : i32
      %swap3A_14 = arith.index_cast %swap3A : i32 to index
      %swap3A_15 = arith.constant 0 : index
      %swap3A_16 = tpu.vector_load %arg6[%swap3A_14, %swap3A_15] {strides = array<i32>} : memref<8x16xi32, #tpu.memory_space<vmem>>, vector<1x16xi32>,
      %swap3A_17 = vector.shape_cast %swap3A_16 : vector<1x16xi32> to vector<16xi32>
      %swap3A_18 = vector.shape_cast %get3A_13 : vector<16xi32> to vector<1x16xi32>
      tpu.vector_store %arg6[%swap3A_14, %swap3A_15], %swap3A_18 {strides = array<i32>} : memref<8x16xi32, #tpu.memory_space<vmem>>, vector<1x16xi32>,
      %get3A_19 = arith.index_cast %scan3A_9 : i32 to index
      %get3A_20 = arith.constant 16 : index
      %get3A_21 = tpu.vector_load %arg5[%get3A_19, %get3A_20] {strides = array<i32>} : memref<40x128xi32, #tpu.memory_space<vmem>>, vector<1x16xi32>,
      %get3A_22 = vector.shape_cast %get3A_21 : vector<1x16xi32> to vector<16xi32>
      %swap3A_23 = arith.constant 1 : i32
      %swap3A_24 = arith.index_cast %swap3A_23 : i32 to index
      %swap3A_25 = arith.constant 0 : index
      %swap3A_26 = tpu.vector_load %arg6[%swap3A_24, %swap3A_25] {strides = array<i32>} : memref<8x16xi32, #tpu.memory_space<vmem>>, vector<1x16xi32>,
      %swap3A_27 = vector.shape_cast %swap3A_26 : vector<1x16xi32> to vector<16xi32>
      %swap3A_28 = vector.shape_cast %get3A_22 : vector<16xi32> to vector<1x16xi32>
      tpu.vector_store %arg6[%swap3A_24, %swap3A_25], %swap3A_28 {strides = array<i32>} : memref<8x16xi32, #tpu.memory_space<vmem>>, vector<1x16xi32>,
      %get3A_29 = arith.index_cast %scan3A_9 : i32 to index
      %get3A_30 = arith.constant 32 : index
      %get3A_31 = tpu.vector_load %arg5[%get3A_29, %get3A_30] {strides = array<i32>} : memref<40x128xi32, #tpu.memory_space<vmem>>, vector<1x16xi32>,
      %get3A_32 = vector.shape_cast %get3A_31 : vector<1x16xi32> to vector<16xi32>
      %swap3A_33 = arith.constant 2 : i32
      %swap3A_34 = arith.index_cast %swap3A_33 : i32 to index
      %swap3A_35 = arith.constant 0 : index
      %swap3A_36 = tpu.vector_load %arg6[%swap3A_34, %swap3A_35] {strides = array<i32>} : memref<8x16xi32, #tpu.memory_space<vmem>>, vector<1x16xi32>,
      %swap3A_37 = vector.shape_cast %swap3A_36 : vector<1x16xi32> to vector<16xi32>
      %swap3A_38 = vector.shape_cast %get3A_32 : vector<16xi32> to vector<1x16xi32>
      tpu.vector_store %arg6[%swap3A_34, %swap3A_35], %swap3A_38 {strides = array<i32>} : memref<8x16xi32, #tpu.memory_space<vmem>>, vector<1x16xi32>,
      %get3A_39 = arith.index_cast %scan3A_9 : i32 to index
      %get3A_40 = arith.constant 48 : index
      %get3A_41 = tpu.vector_load %arg5[%get3A_39, %get3A_40] {strides = array<i32>} : memref<40x128xi32, #tpu.memory_space<vmem>>, vector<1x16xi32>,
      %get3A_42 = vector.shape_cast %get3A_41 : vector<1x16xi32> to vector<16xi32>
      %swap3A_43 = arith.constant 3 : i32
      %swap3A_44 = arith.index_cast %swap3A_43 : i32 to index
      %swap3A_45 = arith.constant 0 : index
      %swap3A_46 = tpu.vector_load %arg6[%swap3A_44, %swap3A_45] {strides = array<i32>} : memref<8x16xi32, #tpu.memory_space<vmem>>, vector<1x16xi32>,
      %swap3A_47 = vector.shape_cast %swap3A_46 : vector<1x16xi32> to vector<16xi32>
      %swap3A_48 = vector.shape_cast %get3A_42 : vector<16xi32> to vector<1x16xi32>
      tpu.vector_store %arg6[%swap3A_44, %swap3A_45], %swap3A_48 {strides = array<i32>} : memref<8x16xi32, #tpu.memory_space<vmem>>, vector<1x16xi32>,
      %get3A_49 = arith.index_cast %scan3A_9 : i32 to index
      %get3A_50 = arith.constant 64 : index
      %get3A_51 = tpu.vector_load %arg5[%get3A_49, %get3A_50] {strides = array<i32>} : memref<40x128xi32, #tpu.memory_space<vmem>>, vector<1x16xi32>,
      %get3A_52 = vector.shape_cast %get3A_51 : vector<1x16xi32> to vector<16xi32>
      %swap3A_53 = arith.constant 4 : i32
      %swap3A_54 = arith.index_cast %swap3A_53 : i32 to index
      %swap3A_55 = arith.constant 0 : index
      %swap3A_56 = tpu.vector_load %arg6[%swap3A_54, %swap3A_55] {strides = array<i32>} : memref<8x16xi32, #tpu.memory_space<vmem>>, vector<1x16xi32>,
      %swap3A_57 = vector.shape_cast %swap3A_56 : vector<1x16xi32> to vector<16xi32>
      %swap3A_58 = vector.shape_cast %get3A_52 : vector<16xi32> to vector<1x16xi32>
      tpu.vector_store %arg6[%swap3A_54, %swap3A_55], %swap3A_58 {strides = array<i32>} : memref<8x16xi32, #tpu.memory_space<vmem>>, vector<1x16xi32>,
      %get3A_59 = arith.index_cast %scan3A_9 : i32 to index
      %get3A_60 = arith.constant 80 : index
      %get3A_61 = tpu.vector_load %arg5[%get3A_59, %get3A_60] {strides = array<i32>} : memref<40x128xi32, #tpu.memory_space<vmem>>, vector<1x16xi32>,
      %get3A_62 = vector.shape_cast %get3A_61 : vector<1x16xi32> to vector<16xi32>
      %swap3A_63 = arith.constant 5 : i32
      %swap3A_64 = arith.index_cast %swap3A_63 : i32 to index
      %swap3A_65 = arith.constant 0 : index
      %swap3A_66 = tpu.vector_load %arg6[%swap3A_64, %swap3A_65] {strides = array<i32>} : memref<8x16xi32, #tpu.memory_space<vmem>>, vector<1x16xi32>,
      %swap3A_67 = vector.shape_cast %swap3A_66 : vector<1x16xi32> to vector<16xi32>
      %swap3A_68 = vector.shape_cast %get3A_62 : vector<16xi32> to vector<1x16xi32>
      tpu.vector_store %arg6[%swap3A_64, %swap3A_65], %swap3A_68 {strides = array<i32>} : memref<8x16xi32, #tpu.memory_space<vmem>>, vector<1x16xi32>,
      %get3A_69 = arith.index_cast %scan3A_9 : i32 to index
      %get3A_70 = arith.constant 96 : index
      %get3A_71 = tpu.vector_load %arg5[%get3A_69, %get3A_70] {strides = array<i32>} : memref<40x128xi32, #tpu.memory_space<vmem>>, vector<1x16xi32>,
      %get3A_72 = vector.shape_cast %get3A_71 : vector<1x16xi32> to vector<16xi32>
      %swap3A_73 = arith.constant 6 : i32
      %swap3A_74 = arith.index_cast %swap3A_73 : i32 to index
      %swap3A_75 = arith.constant 0 : index
      %swap3A_76 = tpu.vector_load %arg6[%swap3A_74, %swap3A_75] {strides = array<i32>} : memref<8x16xi32, #tpu.memory_space<vmem>>, vector<1x16xi32>,
      %swap3A_77 = vector.shape_cast %swap3A_76 : vector<1x16xi32> to vector<16xi32>
      %swap3A_78 = vector.shape_cast %get3A_72 : vector<16xi32> to vector<1x16xi32>
      tpu.vector_store %arg6[%swap3A_74, %swap3A_75], %swap3A_78 {strides = array<i32>} : memref<8x16xi32, #tpu.memory_space<vmem>>, vector<1x16xi32>,
      %get3A_79 = arith.index_cast %scan3A_9 : i32 to index
      %get3A_80 = arith.constant 112 : index
      %get3A_81 = tpu.vector_load %arg5[%get3A_79, %get3A_80] {strides = array<i32>} : memref<40x128xi32, #tpu.memory_space<vmem>>, vector<1x16xi32>,
      %get3A_82 = vector.shape_cast %get3A_81 : vector<1x16xi32> to vector<16xi32>
      %swap3A_83 = arith.constant 7 : i32
      %swap3A_84 = arith.index_cast %swap3A_83 : i32 to index
      %swap3A_85 = arith.constant 0 : index
      %swap3A_86 = tpu.vector_load %arg6[%swap3A_84, %swap3A_85] {strides = array<i32>} : memref<8x16xi32, #tpu.memory_space<vmem>>, vector<1x16xi32>,
      %swap3A_87 = vector.shape_cast %swap3A_86 : vector<1x16xi32> to vector<16xi32>
      %swap3A_88 = vector.shape_cast %get3A_82 : vector<16xi32> to vector<1x16xi32>
      tpu.vector_store %arg6[%swap3A_84, %swap3A_85], %swap3A_88 {strides = array<i32>} : memref<8x16xi32, #tpu.memory_space<vmem>>, vector<1x16xi32>,
      %dma_start3A = arith.constant 0 : i32
      %dma_start3A_89 = arith.constant 0 : i32
      %dma_start3A_90 = arith.constant 0 : i32
      %dma_start3A_91 = tpu.memref_slice %arg7[%dma_start3A_89, %dma_start3A_90] : memref<128x256xf32, #tpu.memory_space<vmem>> -> memref<16x256xf32, #tpu.memory_space<vmem>>
      %dma_start3A_92 = arith.constant 0 : i32
      %dma_start3A_93 = tpu.memref_slice %arg6[%dma_start3A, %dma_start3A_92] : memref<8x16xi32, #tpu.memory_space<vmem>> -> memref<1x16xi32, #tpu.memory_space<vmem>>
      %dma_start3A_94 = tpu.memref_squeeze %dma_start3A_93 : memref<1x16xi32, #tpu.memory_space<vmem>> -> memref<16xi32, #tpu.memory_space<vmem>>
      %dma_start3A_95 = arith.constant 0 : i32
      %dma_start3A_96 = arith.constant 0 : i32
      %dma_start3A_97 = tpu.memref_slice %arg3[%dma_start3A_95, %dma_start3A_96] : memref<10000x256xf32, #tpu.memory_space<hbm>> -> memref<10000x256xf32, #tpu.memory_space<hbm>>
      tpu.enqueue_indirect_dma source(%dma_start3A_97 : memref<10000x256xf32, #tpu.memory_space<hbm>>) target(%dma_start3A_91 : memref<16x256xf32, #tpu.memory_space<vmem>>) offsets(%dma_start3A_94 : memref<16xi32, #tpu.memory_space<vmem>>) semaphore(%arg8 : memref<!tpu.dma_semaphore, #tpu.memory_space<semaphore_mem>>)
      %dma_start3A_98 = arith.constant 1 : i32
      %dma_start3A_99 = arith.constant 16 : i32
      %dma_start3A_100 = arith.constant 0 : i32
      %dma_start3A_101 = tpu.memref_slice %arg7[%dma_start3A_99, %dma_start3A_100] : memref<128x256xf32, #tpu.memory_space<vmem>> -> memref<16x256xf32, #tpu.memory_space<vmem>>
      %dma_start3A_102 = arith.constant 0 : i32
      %dma_start3A_103 = tpu.memref_slice %arg6[%dma_start3A_98, %dma_start3A_102] : memref<8x16xi32, #tpu.memory_space<vmem>> -> memref<1x16xi32, #tpu.memory_space<vmem>>
      %dma_start3A_104 = tpu.memref_squeeze %dma_start3A_103 : memref<1x16xi32, #tpu.memory_space<vmem>> -> memref<16xi32, #tpu.memory_space<vmem>>
      %dma_start3A_105 = arith.constant 0 : i32
      %dma_start3A_106 = arith.constant 0 : i32
      %dma_start3A_107 = tpu.memref_slice %arg3[%dma_start3A_105, %dma_start3A_106] : memref<10000x256xf32, #tpu.memory_space<hbm>> -> memref<10000x256xf32, #tpu.memory_space<hbm>>
      tpu.enqueue_indirect_dma source(%dma_start3A_107 : memref<10000x256xf32, #tpu.memory_space<hbm>>) target(%dma_start3A_101 : memref<16x256xf32, #tpu.memory_space<vmem>>) offsets(%dma_start3A_104 : memref<16xi32, #tpu.memory_space<vmem>>) semaphore(%arg8 : memref<!tpu.dma_semaphore, #tpu.memory_space<semaphore_mem>>)
      %dma_start3A_108 = arith.constant 2 : i32
      %dma_start3A_109 = arith.constant 32 : i32
      %dma_start3A_110 = arith.constant 0 : i32
      %dma_start3A_111 = tpu.memref_slice %arg7[%dma_start3A_109, %dma_start3A_110] : memref<128x256xf32, #tpu.memory_space<vmem>> -> memref<16x256xf32, #tpu.memory_space<vmem>>
      %dma_start3A_112 = arith.constant 0 : i32
      %dma_start3A_113 = tpu.memref_slice %arg6[%dma_start3A_108, %dma_start3A_112] : memref<8x16xi32, #tpu.memory_space<vmem>> -> memref<1x16xi32, #tpu.memory_space<vmem>>
      %dma_start3A_114 = tpu.memref_squeeze %dma_start3A_113 : memref<1x16xi32, #tpu.memory_space<vmem>> -> memref<16xi32, #tpu.memory_space<vmem>>
      %dma_start3A_115 = arith.constant 0 : i32
      %dma_start3A_116 = arith.constant 0 : i32
      %dma_start3A_117 = tpu.memref_slice %arg3[%dma_start3A_115, %dma_start3A_116] : memref<10000x256xf32, #tpu.memory_space<hbm>> -> memref<10000x256xf32, #tpu.memory_space<hbm>>
      tpu.enqueue_indirect_dma source(%dma_start3A_117 : memref<10000x256xf32, #tpu.memory_space<hbm>>) target(%dma_start3A_111 : memref<16x256xf32, #tpu.memory_space<vmem>>) offsets(%dma_start3A_114 : memref<16xi32, #tpu.memory_space<vmem>>) semaphore(%arg8 : memref<!tpu.dma_semaphore, #tpu.memory_space<semaphore_mem>>)
      %dma_start3A_118 = arith.constant 3 : i32
      %dma_start3A_119 = arith.constant 48 : i32
      %dma_start3A_120 = arith.constant 0 : i32
      %dma_start3A_121 = tpu.memref_slice %arg7[%dma_start3A_119, %dma_start3A_120] : memref<128x256xf32, #tpu.memory_space<vmem>> -> memref<16x256xf32, #tpu.memory_space<vmem>>
      %dma_start3A_122 = arith.constant 0 : i32
      %dma_start3A_123 = tpu.memref_slice %arg6[%dma_start3A_118, %dma_start3A_122] : memref<8x16xi32, #tpu.memory_space<vmem>> -> memref<1x16xi32, #tpu.memory_space<vmem>>
      %dma_start3A_124 = tpu.memref_squeeze %dma_start3A_123 : memref<1x16xi32, #tpu.memory_space<vmem>> -> memref<16xi32, #tpu.memory_space<vmem>>
      %dma_start3A_125 = arith.constant 0 : i32
      %dma_start3A_126 = arith.constant 0 : i32
      %dma_start3A_127 = tpu.memref_slice %arg3[%dma_start3A_125, %dma_start3A_126] : memref<10000x256xf32, #tpu.memory_space<hbm>> -> memref<10000x256xf32, #tpu.memory_space<hbm>>
      tpu.enqueue_indirect_dma source(%dma_start3A_127 : memref<10000x256xf32, #tpu.memory_space<hbm>>) target(%dma_start3A_121 : memref<16x256xf32, #tpu.memory_space<vmem>>) offsets(%dma_start3A_124 : memref<16xi32, #tpu.memory_space<vmem>>) semaphore(%arg8 : memref<!tpu.dma_semaphore, #tpu.memory_space<semaphore_mem>>)
      %dma_start3A_128 = arith.constant 4 : i32
      %dma_start3A_129 = arith.constant 64 : i32
      %dma_start3A_130 = arith.constant 0 : i32
      %dma_start3A_131 = tpu.memref_slice %arg7[%dma_start3A_129, %dma_start3A_130] : memref<128x256xf32, #tpu.memory_space<vmem>> -> memref<16x256xf32, #tpu.memory_space<vmem>>
      %dma_start3A_132 = arith.constant 0 : i32
      %dma_start3A_133 = tpu.memref_slice %arg6[%dma_start3A_128, %dma_start3A_132] : memref<8x16xi32, #tpu.memory_space<vmem>> -> memref<1x16xi32, #tpu.memory_space<vmem>>
      %dma_start3A_134 = tpu.memref_squeeze %dma_start3A_133 : memref<1x16xi32, #tpu.memory_space<vmem>> -> memref<16xi32, #tpu.memory_space<vmem>>
      %dma_start3A_135 = arith.constant 0 : i32
      %dma_start3A_136 = arith.constant 0 : i32
      %dma_start3A_137 = tpu.memref_slice %arg3[%dma_start3A_135, %dma_start3A_136] : memref<10000x256xf32, #tpu.memory_space<hbm>> -> memref<10000x256xf32, #tpu.memory_space<hbm>>
      tpu.enqueue_indirect_dma source(%dma_start3A_137 : memref<10000x256xf32, #tpu.memory_space<hbm>>) target(%dma_start3A_131 : memref<16x256xf32, #tpu.memory_space<vmem>>) offsets(%dma_start3A_134 : memref<16xi32, #tpu.memory_space<vmem>>) semaphore(%arg8 : memref<!tpu.dma_semaphore, #tpu.memory_space<semaphore_mem>>)
      %dma_start3A_138 = arith.constant 5 : i32
      %dma_start3A_139 = arith.constant 80 : i32
      %dma_start3A_140 = arith.constant 0 : i32
      %dma_start3A_141 = tpu.memref_slice %arg7[%dma_start3A_139, %dma_start3A_140] : memref<128x256xf32, #tpu.memory_space<vmem>> -> memref<16x256xf32, #tpu.memory_space<vmem>>
      %dma_start3A_142 = arith.constant 0 : i32
      %dma_start3A_143 = tpu.memref_slice %arg6[%dma_start3A_138, %dma_start3A_142] : memref<8x16xi32, #tpu.memory_space<vmem>> -> memref<1x16xi32, #tpu.memory_space<vmem>>
      %dma_start3A_144 = tpu.memref_squeeze %dma_start3A_143 : memref<1x16xi32, #tpu.memory_space<vmem>> -> memref<16xi32, #tpu.memory_space<vmem>>
      %dma_start3A_145 = arith.constant 0 : i32
      %dma_start3A_146 = arith.constant 0 : i32
      %dma_start3A_147 = tpu.memref_slice %arg3[%dma_start3A_145, %dma_start3A_146] : memref<10000x256xf32, #tpu.memory_space<hbm>> -> memref<10000x256xf32, #tpu.memory_space<hbm>>
      tpu.enqueue_indirect_dma source(%dma_start3A_147 : memref<10000x256xf32, #tpu.memory_space<hbm>>) target(%dma_start3A_141 : memref<16x256xf32, #tpu.memory_space<vmem>>) offsets(%dma_start3A_144 : memref<16xi32, #tpu.memory_space<vmem>>) semaphore(%arg8 : memref<!tpu.dma_semaphore, #tpu.memory_space<semaphore_mem>>)
      %dma_start3A_148 = arith.constant 6 : i32
      %dma_start3A_149 = arith.constant 96 : i32
      %dma_start3A_150 = arith.constant 0 : i32
      %dma_start3A_151 = tpu.memref_slice %arg7[%dma_start3A_149, %dma_start3A_150] : memref<128x256xf32, #tpu.memory_space<vmem>> -> memref<16x256xf32, #tpu.memory_space<vmem>>
      %dma_start3A_152 = arith.constant 0 : i32
      %dma_start3A_153 = tpu.memref_slice %arg6[%dma_start3A_148, %dma_start3A_152] : memref<8x16xi32, #tpu.memory_space<vmem>> -> memref<1x16xi32, #tpu.memory_space<vmem>>
      %dma_start3A_154 = tpu.memref_squeeze %dma_start3A_153 : memref<1x16xi32, #tpu.memory_space<vmem>> -> memref<16xi32, #tpu.memory_space<vmem>>
      %dma_start3A_155 = arith.constant 0 : i32
      %dma_start3A_156 = arith.constant 0 : i32
      %dma_start3A_157 = tpu.memref_slice %arg3[%dma_start3A_155, %dma_start3A_156] : memref<10000x256xf32, #tpu.memory_space<hbm>> -> memref<10000x256xf32, #tpu.memory_space<hbm>>
      tpu.enqueue_indirect_dma source(%dma_start3A_157 : memref<10000x256xf32, #tpu.memory_space<hbm>>) target(%dma_start3A_151 : memref<16x256xf32, #tpu.memory_space<vmem>>) offsets(%dma_start3A_154 : memref<16xi32, #tpu.memory_space<vmem>>) semaphore(%arg8 : memref<!tpu.dma_semaphore, #tpu.memory_space<semaphore_mem>>)
      %dma_start3A_158 = arith.constant 7 : i32
      %dma_start3A_159 = arith.constant 112 : i32
      %dma_start3A_160 = arith.constant 0 : i32
      %dma_start3A_161 = tpu.memref_slice %arg7[%dma_start3A_159, %dma_start3A_160] : memref<128x256xf32, #tpu.memory_space<vmem>> -> memref<16x256xf32, #tpu.memory_space<vmem>>
      %dma_start3A_162 = arith.constant 0 : i32
      %dma_start3A_163 = tpu.memref_slice %arg6[%dma_start3A_158, %dma_start3A_162] : memref<8x16xi32, #tpu.memory_space<vmem>> -> memref<1x16xi32, #tpu.memory_space<vmem>>
      %dma_start3A_164 = tpu.memref_squeeze %dma_start3A_163 : memref<1x16xi32, #tpu.memory_space<vmem>> -> memref<16xi32, #tpu.memory_space<vmem>>
      %dma_start3A_165 = arith.constant 0 : i32
      %dma_start3A_166 = arith.constant 0 : i32
      %dma_start3A_167 = tpu.memref_slice %arg3[%dma_start3A_165, %dma_start3A_166] : memref<10000x256xf32, #tpu.memory_space<hbm>> -> memref<10000x256xf32, #tpu.memory_space<hbm>>
      tpu.enqueue_indirect_dma source(%dma_start3A_167 : memref<10000x256xf32, #tpu.memory_space<hbm>>) target(%dma_start3A_161 : memref<16x256xf32, #tpu.memory_space<vmem>>) offsets(%dma_start3A_164 : memref<16xi32, #tpu.memory_space<vmem>>) semaphore(%arg8 : memref<!tpu.dma_semaphore, #tpu.memory_space<semaphore_mem>>)
      %dma_wait3A = arith.constant 0 : i32
      %dma_wait3A_168 = arith.constant 0 : i32
      %dma_wait3A_169 = arith.constant 0 : i32
      %dma_wait3A_170 = tpu.memref_slice %arg7[%dma_wait3A_168, %dma_wait3A_169] : memref<128x256xf32, #tpu.memory_space<vmem>> -> memref<16x256xf32, #tpu.memory_space<vmem>>
      %dma_wait3A_171 = arith.constant 0 : i32
      %dma_wait3A_172 = tpu.memref_slice %arg6[%dma_wait3A, %dma_wait3A_171] : memref<8x16xi32, #tpu.memory_space<vmem>> -> memref<1x16xi32, #tpu.memory_space<vmem>>
      %dma_wait3A_173 = tpu.memref_squeeze %dma_wait3A_172 : memref<1x16xi32, #tpu.memory_space<vmem>> -> memref<16xi32, #tpu.memory_space<vmem>>
      %dma_wait3A_174 = arith.constant 0 : i32
      %dma_wait3A_175 = arith.constant 0 : i32
      %dma_wait3A_176 = tpu.memref_slice %arg3[%dma_wait3A_174, %dma_wait3A_175] : memref<10000x256xf32, #tpu.memory_space<hbm>> -> memref<10000x256xf32, #tpu.memory_space<hbm>>
      tpu.wait_indirect_dma semaphore(%arg8 : memref<!tpu.dma_semaphore, #tpu.memory_space<semaphore_mem>>) src(%dma_wait3A_176 : memref<10000x256xf32, #tpu.memory_space<hbm>>) dst(%dma_wait3A_170 : memref<16x256xf32, #tpu.memory_space<vmem>>)
      %dma_wait3A_177 = arith.constant 1 : i32
      %dma_wait3A_178 = arith.constant 16 : i32
      %dma_wait3A_179 = arith.constant 0 : i32
      %dma_wait3A_180 = tpu.memref_slice %arg7[%dma_wait3A_178, %dma_wait3A_179] : memref<128x256xf32, #tpu.memory_space<vmem>> -> memref<16x256xf32, #tpu.memory_space<vmem>>
      %dma_wait3A_181 = arith.constant 0 : i32
      %dma_wait3A_182 = tpu.memref_slice %arg6[%dma_wait3A_177, %dma_wait3A_181] : memref<8x16xi32, #tpu.memory_space<vmem>> -> memref<1x16xi32, #tpu.memory_space<vmem>>
      %dma_wait3A_183 = tpu.memref_squeeze %dma_wait3A_182 : memref<1x16xi32, #tpu.memory_space<vmem>> -> memref<16xi32, #tpu.memory_space<vmem>>
      %dma_wait3A_184 = arith.constant 0 : i32
      %dma_wait3A_185 = arith.constant 0 : i32
      %dma_wait3A_186 = tpu.memref_slice %arg3[%dma_wait3A_184, %dma_wait3A_185] : memref<10000x256xf32, #tpu.memory_space<hbm>> -> memref<10000x256xf32, #tpu.memory_space<hbm>>
      tpu.wait_indirect_dma semaphore(%arg8 : memref<!tpu.dma_semaphore, #tpu.memory_space<semaphore_mem>>) src(%dma_wait3A_186 : memref<10000x256xf32, #tpu.memory_space<hbm>>) dst(%dma_wait3A_180 : memref<16x256xf32, #tpu.memory_space<vmem>>)
      %dma_wait3A_187 = arith.constant 2 : i32
      %dma_wait3A_188 = arith.constant 32 : i32
      %dma_wait3A_189 = arith.constant 0 : i32
      %dma_wait3A_190 = tpu.memref_slice %arg7[%dma_wait3A_188, %dma_wait3A_189] : memref<128x256xf32, #tpu.memory_space<vmem>> -> memref<16x256xf32, #tpu.memory_space<vmem>>
      %dma_wait3A_191 = arith.constant 0 : i32
      %dma_wait3A_192 = tpu.memref_slice %arg6[%dma_wait3A_187, %dma_wait3A_191] : memref<8x16xi32, #tpu.memory_space<vmem>> -> memref<1x16xi32, #tpu.memory_space<vmem>>
      %dma_wait3A_193 = tpu.memref_squeeze %dma_wait3A_192 : memref<1x16xi32, #tpu.memory_space<vmem>> -> memref<16xi32, #tpu.memory_space<vmem>>
      %dma_wait3A_194 = arith.constant 0 : i32
      %dma_wait3A_195 = arith.constant 0 : i32
      %dma_wait3A_196 = tpu.memref_slice %arg3[%dma_wait3A_194, %dma_wait3A_195] : memref<10000x256xf32, #tpu.memory_space<hbm>> -> memref<10000x256xf32, #tpu.memory_space<hbm>>
      tpu.wait_indirect_dma semaphore(%arg8 : memref<!tpu.dma_semaphore, #tpu.memory_space<semaphore_mem>>) src(%dma_wait3A_196 : memref<10000x256xf32, #tpu.memory_space<hbm>>) dst(%dma_wait3A_190 : memref<16x256xf32, #tpu.memory_space<vmem>>)
      %dma_wait3A_197 = arith.constant 3 : i32
      %dma_wait3A_198 = arith.constant 48 : i32
      %dma_wait3A_199 = arith.constant 0 : i32
      %dma_wait3A_200 = tpu.memref_slice %arg7[%dma_wait3A_198, %dma_wait3A_199] : memref<128x256xf32, #tpu.memory_space<vmem>> -> memref<16x256xf32, #tpu.memory_space<vmem>>
      %dma_wait3A_201 = arith.constant 0 : i32
      %dma_wait3A_202 = tpu.memref_slice %arg6[%dma_wait3A_197, %dma_wait3A_201] : memref<8x16xi32, #tpu.memory_space<vmem>> -> memref<1x16xi32, #tpu.memory_space<vmem>>
      %dma_wait3A_203 = tpu.memref_squeeze %dma_wait3A_202 : memref<1x16xi32, #tpu.memory_space<vmem>> -> memref<16xi32, #tpu.memory_space<vmem>>
      %dma_wait3A_204 = arith.constant 0 : i32
      %dma_wait3A_205 = arith.constant 0 : i32
      %dma_wait3A_206 = tpu.memref_slice %arg3[%dma_wait3A_204, %dma_wait3A_205] : memref<10000x256xf32, #tpu.memory_space<hbm>> -> memref<10000x256xf32, #tpu.memory_space<hbm>>
      tpu.wait_indirect_dma semaphore(%arg8 : memref<!tpu.dma_semaphore, #tpu.memory_space<semaphore_mem>>) src(%dma_wait3A_206 : memref<10000x256xf32, #tpu.memory_space<hbm>>) dst(%dma_wait3A_200 : memref<16x256xf32, #tpu.memory_space<vmem>>)
      %dma_wait3A_207 = arith.constant 4 : i32
      %dma_wait3A_208 = arith.constant 64 : i32
      %dma_wait3A_209 = arith.constant 0 : i32
      %dma_wait3A_210 = tpu.memref_slice %arg7[%dma_wait3A_208, %dma_wait3A_209] : memref<128x256xf32, #tpu.memory_space<vmem>> -> memref<16x256xf32, #tpu.memory_space<vmem>>
      %dma_wait3A_211 = arith.constant 0 : i32
      %dma_wait3A_212 = tpu.memref_slice %arg6[%dma_wait3A_207, %dma_wait3A_211] : memref<8x16xi32, #tpu.memory_space<vmem>> -> memref<1x16xi32, #tpu.memory_space<vmem>>
      %dma_wait3A_213 = tpu.memref_squeeze %dma_wait3A_212 : memref<1x16xi32, #tpu.memory_space<vmem>> -> memref<16xi32, #tpu.memory_space<vmem>>
      %dma_wait3A_214 = arith.constant 0 : i32
      %dma_wait3A_215 = arith.constant 0 : i32
      %dma_wait3A_216 = tpu.memref_slice %arg3[%dma_wait3A_214, %dma_wait3A_215] : memref<10000x256xf32, #tpu.memory_space<hbm>> -> memref<10000x256xf32, #tpu.memory_space<hbm>>
      tpu.wait_indirect_dma semaphore(%arg8 : memref<!tpu.dma_semaphore, #tpu.memory_space<semaphore_mem>>) src(%dma_wait3A_216 : memref<10000x256xf32, #tpu.memory_space<hbm>>) dst(%dma_wait3A_210 : memref<16x256xf32, #tpu.memory_space<vmem>>)
      %dma_wait3A_217 = arith.constant 5 : i32
      %dma_wait3A_218 = arith.constant 80 : i32
      %dma_wait3A_219 = arith.constant 0 : i32
      %dma_wait3A_220 = tpu.memref_slice %arg7[%dma_wait3A_218, %dma_wait3A_219] : memref<128x256xf32, #tpu.memory_space<vmem>> -> memref<16x256xf32, #tpu.memory_space<vmem>>
      %dma_wait3A_221 = arith.constant 0 : i32
      %dma_wait3A_222 = tpu.memref_slice %arg6[%dma_wait3A_217, %dma_wait3A_221] : memref<8x16xi32, #tpu.memory_space<vmem>> -> memref<1x16xi32, #tpu.memory_space<vmem>>
      %dma_wait3A_223 = tpu.memref_squeeze %dma_wait3A_222 : memref<1x16xi32, #tpu.memory_space<vmem>> -> memref<16xi32, #tpu.memory_space<vmem>>
      %dma_wait3A_224 = arith.constant 0 : i32
      %dma_wait3A_225 = arith.constant 0 : i32
      %dma_wait3A_226 = tpu.memref_slice %arg3[%dma_wait3A_224, %dma_wait3A_225] : memref<10000x256xf32, #tpu.memory_space<hbm>> -> memref<10000x256xf32, #tpu.memory_space<hbm>>
      tpu.wait_indirect_dma semaphore(%arg8 : memref<!tpu.dma_semaphore, #tpu.memory_space<semaphore_mem>>) src(%dma_wait3A_226 : memref<10000x256xf32, #tpu.memory_space<hbm>>) dst(%dma_wait3A_220 : memref<16x256xf32, #tpu.memory_space<vmem>>)
      %dma_wait3A_227 = arith.constant 6 : i32
      %dma_wait3A_228 = arith.constant 96 : i32
      %dma_wait3A_229 = arith.constant 0 : i32
      %dma_wait3A_230 = tpu.memref_slice %arg7[%dma_wait3A_228, %dma_wait3A_229] : memref<128x256xf32, #tpu.memory_space<vmem>> -> memref<16x256xf32, #tpu.memory_space<vmem>>
      %dma_wait3A_231 = arith.constant 0 : i32
      %dma_wait3A_232 = tpu.memref_slice %arg6[%dma_wait3A_227, %dma_wait3A_231] : memref<8x16xi32, #tpu.memory_space<vmem>> -> memref<1x16xi32, #tpu.memory_space<vmem>>
      %dma_wait3A_233 = tpu.memref_squeeze %dma_wait3A_232 : memref<1x16xi32, #tpu.memory_space<vmem>> -> memref<16xi32, #tpu.memory_space<vmem>>
      %dma_wait3A_234 = arith.constant 0 : i32
      %dma_wait3A_235 = arith.constant 0 : i32
      %dma_wait3A_236 = tpu.memref_slice %arg3[%dma_wait3A_234, %dma_wait3A_235] : memref<10000x256xf32, #tpu.memory_space<hbm>> -> memref<10000x256xf32, #tpu.memory_space<hbm>>
      tpu.wait_indirect_dma semaphore(%arg8 : memref<!tpu.dma_semaphore, #tpu.memory_space<semaphore_mem>>) src(%dma_wait3A_236 : memref<10000x256xf32, #tpu.memory_space<hbm>>) dst(%dma_wait3A_230 : memref<16x256xf32, #tpu.memory_space<vmem>>)
      %dma_wait3A_237 = arith.constant 7 : i32
      %dma_wait3A_238 = arith.constant 112 : i32
      %dma_wait3A_239 = arith.constant 0 : i32
      %dma_wait3A_240 = tpu.memref_slice %arg7[%dma_wait3A_238, %dma_wait3A_239] : memref<128x256xf32, #tpu.memory_space<vmem>> -> memref<16x256xf32, #tpu.memory_space<vmem>>
      %dma_wait3A_241 = arith.constant 0 : i32
      %dma_wait3A_242 = tpu.memref_slice %arg6[%dma_wait3A_237, %dma_wait3A_241] : memref<8x16xi32, #tpu.memory_space<vmem>> -> memref<1x16xi32, #tpu.memory_space<vmem>>
      %dma_wait3A_243 = tpu.memref_squeeze %dma_wait3A_242 : memref<1x16xi32, #tpu.memory_space<vmem>> -> memref<16xi32, #tpu.memory_space<vmem>>
      %dma_wait3A_244 = arith.constant 0 : i32
      %dma_wait3A_245 = arith.constant 0 : i32
      %dma_wait3A_246 = tpu.memref_slice %arg3[%dma_wait3A_244, %dma_wait3A_245] : memref<10000x256xf32, #tpu.memory_space<hbm>> -> memref<10000x256xf32, #tpu.memory_space<hbm>>
      tpu.wait_indirect_dma semaphore(%arg8 : memref<!tpu.dma_semaphore, #tpu.memory_space<semaphore_mem>>) src(%dma_wait3A_246 : memref<10000x256xf32, #tpu.memory_space<hbm>>) dst(%dma_wait3A_240 : memref<16x256xf32, #tpu.memory_space<vmem>>)
      %mul3A_247 = arith.constant 40 : i32
      %mul3A_248 = arith.muli %add3A, %mul3A_247 : i32
      %add3A_249 = arith.addi %mul3A_248, %scan3A_9 : i32
      %mul3A_250 = arith.constant 128 : i32
      %mul3A_251 = arith.muli %add3A_249, %mul3A_250 : i32
      "tpu.region"() ({
        %run_scoped3A = tpu.sem_alloc : memref<!tpu.dma_semaphore, #tpu.memory_space<semaphore_mem>>
        %dma_start3A_253 = arith.constant 0 : i32
        %dma_start3A_254 = tpu.memref_slice %arg4[%mul3A_251, %dma_start3A_253] : memref<163840x256xf32, #tpu.memory_space<hbm>> -> memref<128x256xf32, #tpu.memory_space<hbm>>
        %dma_start3A_255 = arith.constant 0 : i32
        %dma_start3A_256 = tpu.memref_slice %arg4[%mul3A_251, %dma_start3A_255] : memref<163840x256xf32, #tpu.memory_space<hbm>> -> memref<128x256xf32, #tpu.memory_space<hbm>>
        tpu.enqueue_dma source(%arg7 : memref<128x256xf32, #tpu.memory_space<vmem>>) target(%dma_start3A_256 : memref<128x256xf32, #tpu.memory_space<hbm>>) target_semaphore(%run_scoped3A : memref<!tpu.dma_semaphore, #tpu.memory_space<semaphore_mem>>)
        %dma_wait3A_257 = arith.constant 0 : i32
        %dma_wait3A_258 = tpu.memref_slice %arg4[%mul3A_251, %dma_wait3A_257] : memref<163840x256xf32, #tpu.memory_space<hbm>> -> memref<128x256xf32, #tpu.memory_space<hbm>>
        %dma_wait3A_259 = arith.constant 0 : i32
        %dma_wait3A_260 = tpu.memref_slice %arg4[%mul3A_251, %dma_wait3A_259] : memref<163840x256xf32, #tpu.memory_space<hbm>> -> memref<128x256xf32, #tpu.memory_space<hbm>>
        tpu.wait_dma2 semaphore(%run_scoped3A : memref<!tpu.dma_semaphore, #tpu.memory_space<semaphore_mem>>) src(%arg7 : memref<128x256xf32, #tpu.memory_space<vmem>>) dst(%dma_wait3A_260 : memref<128x256xf32, #tpu.memory_space<hbm>>)
        tpu.yield
      }) : () -> ()
      %scan3A_252 = arith.constant 0 : i32
      scf.yield %scan3A_252 : i32
    }
    %scan3A_8 = arith.constant 40 : i32
    return
  }
}

module attributes {stable_mosaic.version = 14 : i64} {
  func.func @_deg_body(%arg0: i32, %arg1: i32, %arg2: memref<1x1x1024xi32, #tpu.memory_space<vmem>>, %arg3: memref<1000x1xf32, #tpu.memory_space<vmem>>) attributes {dimension_semantics = [#tpu.dimension_semantics<arbitrary>, #tpu.dimension_semantics<arbitrary>], iteration_bounds = array<i64: 10, 160>, scalar_prefetch = 0 : i64, scratch_operands = 0 : i64, tpu.core_type = #tpu.core_type<tc>, window_params = [{transform_indices = @transform_0, window_bounds = array<i64: 1, 1, 1024>}, {transform_indices = @transform_1, window_bounds = array<i64: 1000, 1>}]} {
    %iota3A = tpu.iota {dimensions = array<i32: 0>} : vector<1000x1024xi32>
    %mul3A = arith.constant 1000 : i32
    %mul3A_0 = arith.muli %arg0, %mul3A : i32
    %add3A = vector.broadcast %mul3A_0 : i32 to vector<1000x1024xi32>
    %add3A_1 = arith.addi %iota3A, %add3A : vector<1000x1024xi32>
    %get3A = arith.constant 0 : index
    %get3A_2 = arith.constant 0 : index
    %get3A_3 = arith.constant 0 : index
    %get3A_4 = vector.load %arg2[%get3A, %get3A_2, %get3A_3] : memref<1x1x1024xi32, #tpu.memory_space<vmem>>, vector<1x1x1024xi32>
    %get3A_5 = vector.shape_cast %get3A_4 : vector<1x1x1024xi32> to vector<1x1024xi32>
    %eq3A = vector.broadcast %get3A_5 : vector<1x1024xi32> to vector<1000x1024xi32>
    %eq3A_6 = arith.cmpi eq, %add3A_1, %eq3A : vector<1000x1024xi32>
    %convert_element_type3A = arith.extui %eq3A_6 : vector<1000x1024xi1> to vector<1000x1024xi32>
    %convert_element_type3A_7 = arith.sitofp %convert_element_type3A : vector<1000x1024xi32> to vector<1000x1024xf32>
    %reduce_sum3A = arith.constant dense<0.000000e+00> : vector<1000xf32>
    %reduce_sum3A_8 = vector.multi_reduction <add>, %convert_element_type3A_7, %reduce_sum3A [1] : vector<1000x1024xf32> to vector<1000xf32>
    %broadcast_in_dim3A = vector.shape_cast %reduce_sum3A_8 : vector<1000xf32> to vector<1000x1xf32>
    %eq3A_9 = arith.constant 0 : i32
    %eq3A_10 = arith.cmpi eq, %arg1, %eq3A_9 : i32
    %convert_element_type3A_11 = arith.extui %eq3A_10 : i1 to i32
    %cond3A = arith.constant 0 : i32
    %cond3A_12 = arith.cmpi ne, %convert_element_type3A_11, %cond3A : i32
    scf.if %cond3A_12 {
      %swap3A = arith.constant 0 : index
      %swap3A_17 = arith.constant 0 : index
      %swap3A_18 = vector.load %arg3[%swap3A, %swap3A_17] : memref<1000x1xf32, #tpu.memory_space<vmem>>, vector<1000x1xf32>
      tpu.vector_store %arg3[%swap3A, %swap3A_17], %broadcast_in_dim3A {strides = array<i32>} : memref<1000x1xf32, #tpu.memory_space<vmem>>, vector<1000x1xf32>,
    } else {
    }
    %gt3A = arith.constant 0 : i32
    %gt3A_13 = arith.cmpi sgt, %arg1, %gt3A : i32
    %convert_element_type3A_14 = arith.extui %gt3A_13 : i1 to i32
    %cond3A_15 = arith.constant 0 : i32
    %cond3A_16 = arith.cmpi ne, %convert_element_type3A_14, %cond3A_15 : i32
    scf.if %cond3A_16 {
      %get3A_17 = arith.constant 0 : index
      %get3A_18 = arith.constant 0 : index
      %get3A_19 = vector.load %arg3[%get3A_17, %get3A_18] : memref<1000x1xf32, #tpu.memory_space<vmem>>, vector<1000x1xf32>
      %add3A_20 = arith.addf %get3A_19, %broadcast_in_dim3A : vector<1000x1xf32>
      %swap3A = arith.constant 0 : index
      %swap3A_21 = arith.constant 0 : index
      %swap3A_22 = vector.load %arg3[%swap3A, %swap3A_21] : memref<1000x1xf32, #tpu.memory_space<vmem>>, vector<1000x1xf32>
      tpu.vector_store %arg3[%swap3A, %swap3A_21], %add3A_20 {strides = array<i32>} : memref<1000x1xf32, #tpu.memory_space<vmem>>, vector<1000x1xf32>,
    } else {
    }
    return
  }
  func.func @transform_0(%arg0: i32, %arg1: i32) -> (i32, i32, i32) {
    %c0_i32 = arith.constant 0 : i32
    %c0_i32_0 = arith.constant 0 : i32
    %c0_i32_1 = arith.constant 0 : i32
    return %arg1, %c0_i32, %c0_i32_0 : i32, i32, i32
  }
  func.func @transform_1(%arg0: i32, %arg1: i32) -> (i32, i32) {
    %c0_i32 = arith.constant 0 : i32
    %c0_i32_0 = arith.constant 0 : i32
    return %arg0, %c0_i32 : i32, i32
  }
}

module attributes {stable_mosaic.version = 14 : i64} {
  func.func @_linear_body(%arg0: i32, %arg1: memref<1000x1xf32, #tpu.memory_space<vmem>>, %arg2: memref<1000x256xf32, #tpu.memory_space<vmem>>, %arg3: memref<256x256xf32, #tpu.memory_space<vmem>>, %arg4: memref<1000x256xf32, #tpu.memory_space<vmem>>, %arg5: memref<1000x1xf32, #tpu.memory_space<vmem>>) attributes {dimension_semantics = [#tpu.dimension_semantics<arbitrary>], iteration_bounds = array<i64: 10>, scalar_prefetch = 0 : i64, scratch_operands = 0 : i64, tpu.core_type = #tpu.core_type<tc>, window_params = [{transform_indices = @transform_0, window_bounds = array<i64: 1000, 1>}, {transform_indices = @transform_1, window_bounds = array<i64: 1000, 256>}, {pipeline_mode = #tpu.pipeline_mode<synchronous>, transform_indices = @transform_2, window_bounds = array<i64: 256, 256>}, {transform_indices = @transform_3, window_bounds = array<i64: 1000, 256>}, {transform_indices = @transform_4, window_bounds = array<i64: 1000, 1>}]} {
    %get3A = arith.constant 0 : index
    %get3A_0 = arith.constant 0 : index
    %get3A_1 = vector.load %arg1[%get3A, %get3A_0] : memref<1000x1xf32, #tpu.memory_space<vmem>>, vector<1000x1xf32>
    %get3A_2 = vector.shape_cast %get3A_1 : vector<1000x1xf32> to vector<1000xf32>
    %add3A = arith.constant 1.000000e+00 : f32
    %add3A_3 = vector.broadcast %add3A : f32 to vector<1000xf32>
    %add3A_4 = arith.addf %get3A_2, %add3A_3 : vector<1000xf32>
    %rsqrt3A = math.rsqrt %add3A_4 : vector<1000xf32>
    %get3A_5 = arith.constant 0 : index
    %get3A_6 = arith.constant 0 : index
    %get3A_7 = vector.load %arg2[%get3A_5, %get3A_6] : memref<1000x256xf32, #tpu.memory_space<vmem>>, vector<1000x256xf32>
    %get3A_8 = arith.constant 0 : index
    %get3A_9 = arith.constant 0 : index
    %get3A_10 = vector.load %arg3[%get3A_8, %get3A_9] : memref<256x256xf32, #tpu.memory_space<vmem>>, vector<256x256xf32>
    %dot_general3A = arith.constant dense<0.000000e+00> : vector<1000x256xf32>
    %dot_general3A_11 = tpu.matmul %get3A_7, %get3A_10, %dot_general3A {dimension_numbers = #tpu.dot_dimension_numbers<[1], [0], [0], [1], [0, 0, 1, 1], [], []>, transpose_lhs_hint = false} : vector<1000x256xf32>, vector<256x256xf32>, vector<1000x256xf32> -> vector<1000x256xf32>
    %broadcast_in_dim3A = vector.shape_cast %rsqrt3A : vector<1000xf32> to vector<1000x1xf32>
    %mul3A = vector.broadcast %broadcast_in_dim3A : vector<1000x1xf32> to vector<1000x256xf32>
    %mul3A_12 = arith.mulf %dot_general3A_11, %mul3A : vector<1000x256xf32>
    %swap3A = arith.constant 0 : index
    %swap3A_13 = arith.constant 0 : index
    %swap3A_14 = vector.load %arg4[%swap3A, %swap3A_13] : memref<1000x256xf32, #tpu.memory_space<vmem>>, vector<1000x256xf32>
    tpu.vector_store %arg4[%swap3A, %swap3A_13], %mul3A_12 {strides = array<i32>} : memref<1000x256xf32, #tpu.memory_space<vmem>>, vector<1000x256xf32>,
    %broadcast_in_dim3A_15 = vector.shape_cast %rsqrt3A : vector<1000xf32> to vector<1000x1xf32>
    %swap3A_16 = arith.constant 0 : index
    %swap3A_17 = arith.constant 0 : index
    %swap3A_18 = vector.load %arg5[%swap3A_16, %swap3A_17] : memref<1000x1xf32, #tpu.memory_space<vmem>>, vector<1000x1xf32>
    tpu.vector_store %arg5[%swap3A_16, %swap3A_17], %broadcast_in_dim3A_15 {strides = array<i32>} : memref<1000x1xf32, #tpu.memory_space<vmem>>, vector<1000x1xf32>,
    return
  }
  func.func @transform_0(%arg0: i32) -> (i32, i32) {
    %c0_i32 = arith.constant 0 : i32
    %c0_i32_0 = arith.constant 0 : i32
    return %arg0, %c0_i32 : i32, i32
  }
  func.func @transform_1(%arg0: i32) -> (i32, i32) {
    %c0_i32 = arith.constant 0 : i32
    %c0_i32_0 = arith.constant 0 : i32
    return %arg0, %c0_i32 : i32, i32
  }
  func.func @transform_2(%arg0: i32) -> (i32, i32) {
    %c0_i32 = arith.constant 0 : i32
    %c0_i32_0 = arith.constant 0 : i32
    %c0_i32_1 = arith.constant 0 : i32
    return %c0_i32, %c0_i32_0 : i32, i32
  }
  func.func @transform_3(%arg0: i32) -> (i32, i32) {
    %c0_i32 = arith.constant 0 : i32
    %c0_i32_0 = arith.constant 0 : i32
    return %arg0, %c0_i32 : i32, i32
  }
  func.func @transform_4(%arg0: i32) -> (i32, i32) {
    %c0_i32 = arith.constant 0 : i32
    %c0_i32_0 = arith.constant 0 : i32
    return %arg0, %c0_i32 : i32, i32
  }
}

module attributes {stable_mosaic.version = 14 : i64} {
  func.func @_segsum_body(%arg0: i32, %arg1: i32, %arg2: memref<1x1x1024xi32, #tpu.memory_space<vmem>>, %arg3: memref<1024x256xf32, #tpu.memory_space<vmem>>, %arg4: memref<1000x256xf32, #tpu.memory_space<vmem>>) attributes {dimension_semantics = [#tpu.dimension_semantics<arbitrary>, #tpu.dimension_semantics<arbitrary>], iteration_bounds = array<i64: 10, 160>, scalar_prefetch = 0 : i64, scratch_operands = 0 : i64, tpu.core_type = #tpu.core_type<tc>, window_params = [{transform_indices = @transform_0, window_bounds = array<i64: 1, 1, 1024>}, {transform_indices = @transform_1, window_bounds = array<i64: 1024, 256>}, {transform_indices = @transform_2, window_bounds = array<i64: 1000, 256>}]} {
    %iota3A = tpu.iota {dimensions = array<i32: 0>} : vector<1000x1024xi32>
    %mul3A = arith.constant 1000 : i32
    %mul3A_0 = arith.muli %arg0, %mul3A : i32
    %add3A = vector.broadcast %mul3A_0 : i32 to vector<1000x1024xi32>
    %add3A_1 = arith.addi %iota3A, %add3A : vector<1000x1024xi32>
    %get3A = arith.constant 0 : index
    %get3A_2 = arith.constant 0 : index
    %get3A_3 = arith.constant 0 : index
    %get3A_4 = vector.load %arg2[%get3A, %get3A_2, %get3A_3] : memref<1x1x1024xi32, #tpu.memory_space<vmem>>, vector<1x1x1024xi32>
    %get3A_5 = vector.shape_cast %get3A_4 : vector<1x1x1024xi32> to vector<1x1024xi32>
    %eq3A = vector.broadcast %get3A_5 : vector<1x1024xi32> to vector<1000x1024xi32>
    %eq3A_6 = arith.cmpi eq, %add3A_1, %eq3A : vector<1000x1024xi32>
    %convert_element_type3A = arith.extui %eq3A_6 : vector<1000x1024xi1> to vector<1000x1024xi32>
    %convert_element_type3A_7 = arith.sitofp %convert_element_type3A : vector<1000x1024xi32> to vector<1000x1024xf32>
    %convert_element_type3A_8 = arith.truncf %convert_element_type3A_7 : vector<1000x1024xf32> to vector<1000x1024xbf16>
    %get3A_9 = arith.constant 0 : index
    %get3A_10 = arith.constant 0 : index
    %get3A_11 = vector.load %arg3[%get3A_9, %get3A_10] : memref<1024x256xf32, #tpu.memory_space<vmem>>, vector<1024x256xf32>
    %convert_element_type3A_12 = arith.truncf %get3A_11 : vector<1024x256xf32> to vector<1024x256xbf16>
    %dot_general3A = arith.constant dense<0.000000e+00> : vector<1000x256xf32>
    %dot_general3A_13 = tpu.matmul %convert_element_type3A_8, %convert_element_type3A_12, %dot_general3A {dimension_numbers = #tpu.dot_dimension_numbers<[1], [0], [0], [1], [0, 0, 1, 1], [], []>, transpose_lhs_hint = false} : vector<1000x1024xbf16>, vector<1024x256xbf16>, vector<1000x256xf32> -> vector<1000x256xf32>
    %eq3A_14 = arith.constant 0 : i32
    %eq3A_15 = arith.cmpi eq, %arg1, %eq3A_14 : i32
    %convert_element_type3A_16 = arith.extui %eq3A_15 : i1 to i32
    %cond3A = arith.constant 0 : i32
    %cond3A_17 = arith.cmpi ne, %convert_element_type3A_16, %cond3A : i32
    scf.if %cond3A_17 {
      %swap3A = arith.constant 0 : index
      %swap3A_22 = arith.constant 0 : index
      %swap3A_23 = vector.load %arg4[%swap3A, %swap3A_22] : memref<1000x256xf32, #tpu.memory_space<vmem>>, vector<1000x256xf32>
      tpu.vector_store %arg4[%swap3A, %swap3A_22], %dot_general3A_13 {strides = array<i32>} : memref<1000x256xf32, #tpu.memory_space<vmem>>, vector<1000x256xf32>,
    } else {
    }
    %gt3A = arith.constant 0 : i32
    %gt3A_18 = arith.cmpi sgt, %arg1, %gt3A : i32
    %convert_element_type3A_19 = arith.extui %gt3A_18 : i1 to i32
    %cond3A_20 = arith.constant 0 : i32
    %cond3A_21 = arith.cmpi ne, %convert_element_type3A_19, %cond3A_20 : i32
    scf.if %cond3A_21 {
      %get3A_22 = arith.constant 0 : index
      %get3A_23 = arith.constant 0 : index
      %get3A_24 = vector.load %arg4[%get3A_22, %get3A_23] : memref<1000x256xf32, #tpu.memory_space<vmem>>, vector<1000x256xf32>
      %add3A_25 = arith.addf %get3A_24, %dot_general3A_13 : vector<1000x256xf32>
      %swap3A = arith.constant 0 : index
      %swap3A_26 = arith.constant 0 : index
      %swap3A_27 = vector.load %arg4[%swap3A, %swap3A_26] : memref<1000x256xf32, #tpu.memory_space<vmem>>, vector<1000x256xf32>
      tpu.vector_store %arg4[%swap3A, %swap3A_26], %add3A_25 {strides = array<i32>} : memref<1000x256xf32, #tpu.memory_space<vmem>>, vector<1000x256xf32>,
    } else {
    }
    return
  }
  func.func @transform_0(%arg0: i32, %arg1: i32) -> (i32, i32, i32) {
    %c0_i32 = arith.constant 0 : i32
    %c0_i32_0 = arith.constant 0 : i32
    %c0_i32_1 = arith.constant 0 : i32
    return %arg1, %c0_i32, %c0_i32_0 : i32, i32, i32
  }
  func.func @transform_1(%arg0: i32, %arg1: i32) -> (i32, i32) {
    %c0_i32 = arith.constant 0 : i32
    %c0_i32_0 = arith.constant 0 : i32
    return %arg1, %c0_i32 : i32, i32
  }
  func.func @transform_2(%arg0: i32, %arg1: i32) -> (i32, i32) {
    %c0_i32 = arith.constant 0 : i32
    %c0_i32_0 = arith.constant 0 : i32
    return %arg0, %c0_i32 : i32, i32
  }
}

module attributes {stable_mosaic.version = 14 : i64} {
  func.func @_epilogue_body(%arg0: i32, %arg1: memref<1000x256xf32, #tpu.memory_space<vmem>>, %arg2: memref<1000x256xf32, #tpu.memory_space<vmem>>, %arg3: memref<1000x1xf32, #tpu.memory_space<vmem>>, %arg4: memref<1x256xf32, #tpu.memory_space<vmem>>, %arg5: memref<1000x256xf32, #tpu.memory_space<vmem>>) attributes {dimension_semantics = [#tpu.dimension_semantics<arbitrary>], iteration_bounds = array<i64: 10>, scalar_prefetch = 0 : i64, scratch_operands = 0 : i64, tpu.core_type = #tpu.core_type<tc>, window_params = [{transform_indices = @transform_0, window_bounds = array<i64: 1000, 256>}, {transform_indices = @transform_1, window_bounds = array<i64: 1000, 256>}, {transform_indices = @transform_2, window_bounds = array<i64: 1000, 1>}, {pipeline_mode = #tpu.pipeline_mode<synchronous>, transform_indices = @transform_3, window_bounds = array<i64: 1, 256>}, {transform_indices = @transform_4, window_bounds = array<i64: 1000, 256>}]} {
    %get3A = arith.constant 0 : index
    %get3A_0 = arith.constant 0 : index
    %get3A_1 = vector.load %arg3[%get3A, %get3A_0] : memref<1000x1xf32, #tpu.memory_space<vmem>>, vector<1000x1xf32>
    %get3A_2 = arith.constant 0 : index
    %get3A_3 = arith.constant 0 : index
    %get3A_4 = vector.load %arg1[%get3A_2, %get3A_3] : memref<1000x256xf32, #tpu.memory_space<vmem>>, vector<1000x256xf32>
    %get3A_5 = arith.constant 0 : index
    %get3A_6 = arith.constant 0 : index
    %get3A_7 = vector.load %arg2[%get3A_5, %get3A_6] : memref<1000x256xf32, #tpu.memory_space<vmem>>, vector<1000x256xf32>
    %add3A = arith.addf %get3A_4, %get3A_7 : vector<1000x256xf32>
    %mul3A = vector.broadcast %get3A_1 : vector<1000x1xf32> to vector<1000x256xf32>
    %mul3A_8 = arith.mulf %mul3A, %add3A : vector<1000x256xf32>
    %get3A_9 = arith.constant 0 : index
    %get3A_10 = arith.constant 0 : index
    %get3A_11 = vector.load %arg4[%get3A_9, %get3A_10] : memref<1x256xf32, #tpu.memory_space<vmem>>, vector<1x256xf32>
    %add3A_12 = vector.broadcast %get3A_11 : vector<1x256xf32> to vector<1000x256xf32>
    %add3A_13 = arith.addf %mul3A_8, %add3A_12 : vector<1000x256xf32>
    %max3A = arith.constant 0.000000e+00 : f32
    %max3A_14 = vector.broadcast %max3A : f32 to vector<1000x256xf32>
    %max3A_15 = arith.maximumf %add3A_13, %max3A_14 : vector<1000x256xf32>
    %swap3A = arith.constant 0 : index
    %swap3A_16 = arith.constant 0 : index
    %swap3A_17 = vector.load %arg5[%swap3A, %swap3A_16] : memref<1000x256xf32, #tpu.memory_space<vmem>>, vector<1000x256xf32>
    tpu.vector_store %arg5[%swap3A, %swap3A_16], %max3A_15 {strides = array<i32>} : memref<1000x256xf32, #tpu.memory_space<vmem>>, vector<1000x256xf32>,
    return
  }
  func.func @transform_0(%arg0: i32) -> (i32, i32) {
    %c0_i32 = arith.constant 0 : i32
    %c0_i32_0 = arith.constant 0 : i32
    return %arg0, %c0_i32 : i32, i32
  }
  func.func @transform_1(%arg0: i32) -> (i32, i32) {
    %c0_i32 = arith.constant 0 : i32
    %c0_i32_0 = arith.constant 0 : i32
    return %arg0, %c0_i32 : i32, i32
  }
  func.func @transform_2(%arg0: i32) -> (i32, i32) {
    %c0_i32 = arith.constant 0 : i32
    %c0_i32_0 = arith.constant 0 : i32
    return %arg0, %c0_i32 : i32, i32
  }
  func.func @transform_3(%arg0: i32) -> (i32, i32) {
    %c0_i32 = arith.constant 0 : i32
    %c0_i32_0 = arith.constant 0 : i32
    %c0_i32_1 = arith.constant 0 : i32
    return %c0_i32, %c0_i32_0 : i32, i32
  }
  func.func @transform_4(%arg0: i32) -> (i32, i32) {
    %c0_i32 = arith.constant 0 : i32
    %c0_i32_0 = arith.constant 0 : i32
    return %arg0, %c0_i32 : i32, i32
  }
}

</mosaic_0001>

<sc_bundles>
// kernel: kernel.7.cloned.1.call-start
scs
__scs_entry_jumppad:
0x0: {  	(pc) =	sbr.rel $0x88, $3  }
0x1: {  	(tag) =	ssettag $0x0;
	lr =	simm.s32 $0x1  }
0x2: {  	[smem:$0x3F9D] =	sst lr;
	_ =	strace $0xD0000000  }
0x3: {  	_ = 	snop  }
0x4: {  	_ = 	snop  }
0x5: {  	_ = 	snop  }
0x6: {  	_ = 	snop  }
0x7: {  	_ = 	snop  }
__scs_overlays_trampoline_lowered:
0x8: {  	[smem:$0x3FAC] =	sst s0  }
0x9: {  	[smem:$0x3FAD] =	sst s1  }
0xa: {  	[smem:$0x3FAE] =	sst s2  }
0xb: {  	[smem:$0x3FAF] =	sst s3  }
0xc: {  	[smem:$0x3FB0] =	sst s4  }
0xd: {  	[smem:$0x3FB1] =	sst s5  }
0xe: {  	[smem:$0x3FB2] =	sst s6  }
0xf: {  	[smem:$0x3FB3] =	sst s7  }
0x10: {  	[smem:$0x3FB4] =	sst s8  }
0x11: {  	[smem:$0x3FB5] =	sst s9;
	s0 =	simm.s32 @!p0 $0x0  }
0x12: {  	s1 =	sld [smem:$0x3F9B];
	s0 =	simm.s32 @p0 $0x1  }
0x13: {  	[smem:$0x3FB6] =	sst s0;
	s0 =	simm.s32 @!p1 $0x0  }
0x14: {  	s2 =	sld [smem:$0x3F9A];
	s0 =	simm.s32 @p1 $0x1  }
0x15: {  	[smem:$0x3FB7] =	sst s0;
	s0 =	simm.s32 @!p2 $0x0  }
0x16: {  	s3 =	sld [smem:$0x3FDB];
	s0 =	simm.s32 @p2 $0x1  }
0x17: {  	s4 =	simm.s32 $0x1BF5;
	[smem:$0x3FB9] =	sst s0  }
0x18: {  	s0 =	sld [smem:$0x3F9C];
	_ =	swait.ge [sflag:s4], $0x0  }
0x19: {  	s7 =	sld [smem:$0x3F9D]  }
0x1a: {  	s8 =	sadd.s32 $0xFFFFE003, lr  }
0x1b: {  	s9 =	sadd.s32 $0xFFFFFEF7, lr;
	s5 =	simm.s32 $0xFFFFFFFF;
	p2 =	slt.u32 s8, $0xFFFFF086  }
0x1c: {  	p1 =	slt.u32 s9, $0xF7A;
	s5 =	simm.s32 @!p2 $0x0  }
0x1d: {  	s5 =	simm.s32 @p1 $0x1;
	p0 =	seq.s32 s7, s2  }
0x1e: {  	s7 =	smul.u32 @!p0 $0xF7A, s2;
	p2 =	seq.s32 @!p0 s5, $0x0  }
0x1f: {  	s9 =	smul.u32 $0xF7A, s1;
	s8 =	simm.s32 @!p0 $0x1BF5;
	p2 =	por !p2, p0  }
0x20: {  	[sflag:s8] =	ssyncset.s32 @!p0 $0xFFFFF086;
	s6 =	sadd.s32 @!p0 s3, s7;
	s7 =	simm.s32 @!p0 $0x108  }
0x21: {  	s3 =	sadd.s32 s3, s9;
	s6 =	sadd.s32 @!p0 $0x88, s6;
	s7 =	simm.s32 @p2 $0x1082  }
0x22: {  	[simem:s7], [sflag:s8] =	dma.local @!p0 [hbm:s6], $0xF7A  }
0x23: {  	s9 =	sor.u32 $0xD0000000, s2;
	s6 =	simm.s32 $0x108;
	_ =	swait.ge @!p0 [sflag:s8], $0x0  }
0x24: {  	s3 =	sadd.s32 $0x88, s3;
	s6 =	simm.s32 @!p1 $0x1082;
	[sflag:s4] =	ssyncset.s32 $0xFFFFF086  }
0x25: {  	[simem:s6], [sflag:s4] =	dma.local [hbm:s3], $0xF7A  }
0x26: {  	[smem:$0x3F9D] =	sst s1;
	(tag) =	ssettag s2;
	_ =	strace s9  }
0x27: {  	s1 =	sld [smem:$0x3FAD]  }
0x28: {  	s2 =	sld [smem:$0x3FAE]  }
0x29: {  	s4 =	sld [smem:$0x3FB0]  }
0x2a: {  	p0 =	seq.s32 s5, $0x0;
	s5 =	sld [smem:$0x3FB1]  }
0x2b: {  	s6 =	sld [smem:$0x3FB2]  }
0x2c: {  	s7 =	sld [smem:$0x3FB3]  }
0x2d: {  	s3 =	simm.s32 $0x108;
	s8 =	sld [smem:$0x3FB4]  }
0x2e: {  	s3 =	simm.s32 @!p0 $0x1082;
	s9 =	sld [smem:$0x3FB5]  }
0x2f: {  	lr =	sadd.s32 s0, s3;
	s0 =	sld [smem:$0x3FAC]  }
0x30: {  	s3 =	sld [smem:$0x3FAF]  }
0x31: {  	[smem:$0x3FB8] =	sst s10  }
0x32: {  	s10 =	sld [smem:$0x3FB6];
	_ =	sdelay $0x3  }
0x33: {  	p0 =	seq.s32 s10, $0x1;
	s10 =	sld [smem:$0x3FB8];
	_ =	sdelay $0x3  }
0x34: {  	[smem:$0x3FB8] =	sst s10  }
0x35: {  	s10 =	sld [smem:$0x3FB7];
	_ =	sdelay $0x3  }
0x36: {  	p1 =	seq.s32 s10, $0x1;
	s10 =	sld [smem:$0x3FB8];
	_ =	sdelay $0x3  }
0x37: {  	[smem:$0x3FB8] =	sst s10  }
0x38: {  	s10 =	sld [smem:$0x3FB9]  }
0x39: {  	_ = 	snop;
	(pc) =	sbr.ind lr, $3  }
0x3a: {  	_ = 	snop  }
0x3b: {  	_ = 	snop  }
0x3c: {  	p2 =	seq.s32 s10, $0x1;
	s10 =	sld [smem:$0x3FB8]  }
0x3d: {  	_ =	shalt  }
0x3e: {  	_ =	shalt  }
0x3f: {  	_ =	shalt  }
0x40: {  	_ =	shalt  }
0x41: {  	_ =	shalt  }
0x42: {  	_ =	shalt  }
0x43: {  	_ =	shalt  }
0x44: {  	_ =	shalt  }
0x45: {  	_ =	shalt  }
0x46: {  	_ =	shalt  }
0x47: {  	_ =	shalt  }
0x48: {  	_ =	shalt  }
0x49: {  	_ =	shalt  }
0x4a: {  	_ =	shalt  }
0x4b: {  	_ =	shalt  }
0x4c: {  	_ =	shalt  }
0x4d: {  	_ =	shalt  }
0x4e: {  	_ =	shalt  }
0x4f: {  	_ =	shalt  }
0x50: {  	_ =	shalt  }
0x51: {  	_ =	shalt  }
0x52: {  	_ =	shalt  }
0x53: {  	_ =	shalt  }
0x54: {  	_ =	shalt  }
0x55: {  	_ =	shalt  }
0x56: {  	_ =	shalt  }
0x57: {  	_ =	shalt  }
0x58: {  	_ =	shalt  }
0x59: {  	_ =	shalt  }
0x5a: {  	_ =	shalt  }
0x5b: {  	_ =	shalt  }
0x5c: {  	_ =	shalt  }
0x5d: {  	_ =	shalt  }
0x5e: {  	_ =	shalt  }
0x5f: {  	_ =	shalt  }
0x60: {  	_ =	shalt  }
0x61: {  	_ =	shalt  }
0x62: {  	_ =	shalt  }
0x63: {  	_ =	shalt  }
0x64: {  	_ =	shalt  }
0x65: {  	_ =	shalt  }
0x66: {  	_ =	shalt  }
0x67: {  	_ =	shalt  }
0x68: {  	_ =	shalt  }
0x69: {  	_ =	shalt  }
0x6a: {  	_ =	shalt  }
0x6b: {  	_ =	shalt  }
0x6c: {  	_ =	shalt  }
0x6d: {  	_ =	shalt  }
0x6e: {  	_ =	shalt  }
0x6f: {  	_ =	shalt  }
0x70: {  	_ =	shalt  }
0x71: {  	_ =	shalt  }
0x72: {  	_ =	shalt  }
0x73: {  	_ =	shalt  }
0x74: {  	_ =	shalt  }
0x75: {  	_ =	shalt  }
0x76: {  	_ =	shalt  }
0x77: {  	_ =	shalt  }
0x78: {  	_ =	shalt  }
0x79: {  	_ =	shalt  }
0x7a: {  	_ =	shalt  }
0x7b: {  	_ =	shalt  }
0x7c: {  	_ =	shalt  }
0x7d: {  	_ =	shalt  }
0x7e: {  	_ =	shalt  }
0x7f: {  	_ =	shalt  }
0x80: {  	_ =	shalt  }
0x81: {  	_ =	shalt  }
0x82: {  	_ =	shalt  }
0x83: {  	_ =	shalt  }
0x84: {  	_ =	shalt  }
0x85: {  	_ =	shalt  }
0x86: {  	_ =	shalt  }
0x87: {  	_ =	shalt  }
.Lfunc_end0:
.L_simem_size_0:
called_computation_lowered:
.L_overlay_start_0:
0x88: {  	s2 =	sld [smem:$0x3FD9]  }
0x89: {  	s3 =	sld [smem:$0x3FFE];
	_ =	sdelay $0x1  }
0x8a: {  	s1 =	srdreg.scid  }
0x8b: {  	s0 =	sand.u32 $0x1, s1  }
0x8c: {  	s16 =	sshll.u32 s0, $0xA;
	s2 =	sadd.s32 s3, s2  }
0x8d: {  	s2 =	sadd.s32 s2, s16  }
0x8e: {  	[smem:$0x3FC4] =	sst s2  }
0x8f: {  	_ = 	snop  }
0x90: {  	(tm) =	ssettm $0x1  }
0x91: {  	s17 =	sld [smem:$0x3FFB];
	_ =	sdelay $0x3  }
0x92: {  	_ =	strace s17  }
0x93: {  	s2 =	sld [smem:$0x3FFC];
	_ =	sdelay $0x3  }
0x94: {  	_ =	strace s2  }
0x95: {  	s2 =	sld [smem:$0x3FFD];
	_ =	sdelay $0x3  }
0x96: {  	_ =	strace s2  }
0x97: {  	_ =	strace $0x8FFFFFFF  }
0x98: {  	s18 =	sld [smem:$0x3FDB];
	_ =	sdelay $0x1  }
0x99: {  	s19 =	simm.s32 $_scs_section_size  }
0x9a: {  	s4 =	simm.s32 $_size__tile_overlayer_lowered;
	s5 =	simm.s32 $_tile_overlayer_lowered  }
0x9b: {  	s22 =	simm.s32 $0x1BFF;
	s21 =	sshll.u32 s5, $0x1;
	s2 =	sadd.s32 s19, s18  }
0x9c: {  	s6 =	simm.s32 $0x0;
	s20 =	sshll.u32 s4, $0x1;
	s4 =	sadd.s32 s21, s2  }
0x9d: {  	[timem:s6], [sflag:s22] =	dma.local [hbm:s4], s20  }
0x9e: {  	_ =	swait.ge [sflag:s22], s20  }
0x9f: {  	s3 =	ssub.s32 $0x0, s20;
	[sflag:s22] =	ssyncset.done $0x0  }
0xa0: {  	[sflag:s22] =	ssyncadd.s32 s3;
	_ =	sdelay $0x1  }
0xa1: {  	s23 =	simm.s32 $0x1B8B  }
0xa2: {  	_ =	swait.ge [sflag:s23], $0x1  }
0xa3: {  	[sflag:s23] =	ssyncset.done $0x0  }
0xa4: {  	s25 =	simm.s32 $0x1B8E;
	s24 =	sld [smem:$0x3FFE];
	[sflag:s23] =	ssyncadd.s32 $0xFFFFFFFF  }
0xa5: {  	s26 =	simm.s32 $execute0_lowered;
	[smem:$0x3FD2] =	sst s25  }
0xa6: {  	s4 =	sshll.u32 s26, $0x1;
	_ =	strace $0x80000046;
	[dreg:$0x1] =	wrdreg $0xFFFFFFFF  }
0xa7: {  	s28 =	simm.s32 $_size_execute0_lowered;
	s2 =	sadd.s32 s2, s4;
	[dreg:$0x0] =	wrdreg $0x0  }
0xa8: {  	s4 =	sshll.u32 s28, $0x1;
	[dreg:$0x2] =	wrdreg s2  }
0xa9: {  	[dreg:$0x3] =	wrdreg s4  }
0xaa: {  	[dreg:$0x4] =	wrdreg $0xC0  }
0xab: {  	_ =	task [dreg:s6], $0x5FFFF  }
0xac: {  	[dreg:$0x1] =	wrdreg $0xFFFFFFFF  }
0xad: {  	[dreg:$0x0] =	wrdreg $0x60  }
0xae: {  	[dreg:$0x2] =	wrdreg s24  }
0xaf: {  	[dreg:$0x3] =	wrdreg $0x9  }
0xb0: {  	_ =	task.clear_ibuf [dreg:s6], $0x4FFFF;
	_ =	strace $0x90000046  }
0xb1: {  	s29 =	simm.s32 $0x9;
	_ =	strace $0x80000048  }
0xb2: {  	_ =	swait.ge [sflag:s29], $0x1  }
0xb3: {  	[sflag:s29] =	ssyncadd.s32 $0xFFFFFFFF  }
0xb4: {  	_ =	strace $0x90000048  }
0xb5: {  	_ =	sfence  }
0xb6: {  	s30 =	sld [smem:$0x0];
	_ =	sdelay $0x2  }
0xb7: {  	s31 =	sshll.u32 s1, $0xD;
	s1 =	sshrl.u32 s1, $0x2  }
0xb8: {  	s3 =	sand.u32 $0x4000, s31;
	s1 =	sadd.s32 s1, s30  }
0xb9: {  	s0 =	sor.u32 s3, s0;
	s1 =	sshll.u32 s1, $0x11  }
0xba: {  	s0 =	sor.u32 s1, s0  }
0xbb: {  	s0 =	sadd.s32 $0x8F2B, s0  }
0xbc: {  	[sflag:s0] =	ssyncadd.remote.s32 $0x1  }
0xbd: {  	_ =	sfence.sel $0xFFFF  }
0xbe: {  	[dreg:$0x0] =	wrdreg $0xFFFFFFFF;
	(pc) =	sbr.abs _section_cstart, $3  }
0xbf: {  	[dreg:$0x1] =	wrdreg $0xFFFFFFFF  }
0xc0: {  	_ =	task.clear_ibuf [dreg:s6], $0x2FFFF;
	_ =	strace $0x9FFFFFFF  }
0xc1: {  	(tm) =	ssettm $0x7FFFFFFF  }
tec
execute0_lowered:
.L_overlay_start_1:
0x0: {  	(tag) =	ssettag $0x1  }
0x1: {  	s0 =	srdreg.scid  }
0x2: {  	s4 =	rddreg [dreg:$0x0];
	s1 =	stileid.u32  }
0x3: {  	s2 =	simm.s32 $0x0;
	s9 =	simm.s32 $0x2000;
	s10 =	simm.s32 $0x2800  }
0x4: {  	s11 =	simm.s32 $0x3000;
	s12 =	simm.s32 $0x3800;
	s13 =	simm.s32 $0x4000  }
0x5: {  	s14 =	simm.s32 $0x4800;
	s15 =	simm.s32 $0x5000;
	s16 =	simm.s32 $0x5800  }
0x6: {  	s17 =	simm.s32 $0x6000;
	s18 =	simm.s32 $0x6800;
	s19 =	simm.s32 $0x7000  }
0x7: {  	s20 =	simm.s32 $0x7800;
	s21 =	simm.s32 $0x8000;
	s22 =	simm.s32 $0x8800  }
0x8: {  	s23 =	simm.s32 $0x9000;
	s24 =	simm.s32 $0x1;
	s25 =	simm.s32 $0x0  }
0x9: {  	s3 =	sand.u32 $0x1, s0;
	s0 =	rddreg [dreg:$0x1];
	s8 =	smul.u32 $0x28000, s1  }
0xa: {  	[smem:$0x7FF] =	sst s2;
	s5 =	sshll.u32 s3, $0x4;
	s6 =	smul.u32 $0x280000, s3  }
0xb: {  	_ =	strace $0x80000047;
	s7 =	ssub.s32 $0x2, s3;
	s5 =	sor.u32 s1, s5  }
0xc: {  	s31 =	sshrl.u32 s7, $0x1;
	s5 =	smul.u32 $0x280, s5;
	s6 =	sadd.s32 s6, s4  }
0xd: {  	v2 =	vlaneseq.u32;
	s3 =	sadd.s32 $0xAC00, s4;
	s7 =	ssub.s32 s7, s31;
	s6 =	sadd.s32 s8, s6  }
0xe: {  	vm0 =	vmmov $0xffff;
	v1 =	vshrl.u32 v2, $0x3;
	s8 =	simm.s32 $0x1800;
	s5 =	sadd.s32 s5, s4;
	s6 =	sadd.s32 $0x58E00, s6  }
0xf: {  	v0 =	vand.u32 $0x7, v2;
	v2 =	vor.u32 $0x8, v2;
	v1 =	vmul.u32 $0x8, v1;
	s4 =	sadd.s32 $0xC00, s5;
	s5 =	smax.u32 s7, $0x1;
	s7 =	simm.s32 $0x2  }
.LBB2_1:
0x10: {  	[tilespmem:s2], [sflag:$0x2] =	stream.linear.gather [hbm4b:s4+s2], $0x1400, $0x38;
	[tilespmem:$0x9800] =	vst v63  }
0x11: {  	_ =	swait.ge [sflag:s7], $0x1400  }
0x12: {  	[sflag:s7] =	ssyncset.done $0x0  }
0x13: {  	s26 =	simm.s32 $0x40;
	s28 =	simm.s32 $0x0;
	[sflag:s7] =	ssyncadd.s32 $0xFFFFEC00  }
.LBB2_2:
0x14: {  	v3 =	vld [tilespmem:s26+$0xFFFFFFC0];
	_ =	sdelay $0x4  }
0x15: {  	[tilespmem:$0x1400] =	vst v3  }
0x16: {  	v4 =	vld [tilespmem:s26+$0xFFFFFFD0];
	_ =	sdelay $0x4  }
0x17: {  	[tilespmem:$0x1480] =	vst v4  }
0x18: {  	v4 =	vld [tilespmem:s26+$0xFFFFFFE0];
	_ =	sdelay $0x4  }
0x19: {  	[tilespmem:$0x1500] =	vst v4  }
0x1a: {  	v4 =	vld [tilespmem:s26+$0xFFFFFFF0];
	_ =	sdelay $0x4  }
0x1b: {  	[tilespmem:$0x1580] =	vst v4  }
0x1c: {  	v4 =	vld [tilespmem:s26+$0x0];
	_ =	sdelay $0x4  }
0x1d: {  	[tilespmem:$0x1600] =	vst v4  }
0x1e: {  	v4 =	vld [tilespmem:s26+$0x10];
	_ =	sdelay $0x4  }
0x1f: {  	[tilespmem:$0x1680] =	vst v4  }
0x20: {  	v4 =	vld [tilespmem:s26+$0x20];
	_ =	sdelay $0x1  }
0x21: {  	v5 =	vshll.u32 v3, $0x1  }
0x22: {  	v3 =	vand.u32 $0x7, v3;
	v5 =	vand.u32 $0xFFFFFFF0, v5  }
0x23: {  	v3 =	vor.u32 v3, v5  }
0x24: {  	v55 =	vperm.xlane v3, v0;
	[tilespmem:$0x1700] =	vst v4  }
0x25: {  	v56 =	vld [tilespmem:s26+$0x30]  }
0x26: {  	v3 =	vperm.xlane v3, v2;
	v4 =	vadd.s32 v1, v55;
	_ =	sdelay $0x1  }
0x27: {  	v3 =	vadd.s32 v1, v3;
	_ =	sdelay $0x1  }
0x28: {  	[tilespmem:$0x1780] =	vst v56  }
0x29: {  	[tilespmem:s8], [sflag:$0x1] =	stream.indirect_vreg.gather [hbm4b:s3+s2], $0x80, v4, vm0, $0xb8;
	[tilespmem:$0x9800] =	vst v63  }
0x2a: {  	_ = 	snop  }
0x2b: {  	[tilespmem:s9], [sflag:$0x1] =	stream.indirect_vreg.gather [hbm4b:s3+s2], $0x80, v3, vm0, $0xb8;
	[tilespmem:$0x9800] =	vst v63  }
0x2c: {  	v3 =	vld [tilespmem:$0x1480];
	_ =	sdelay $0x4  }
0x2d: {  	v57 =	vshll.u32 v3, $0x1  }
0x2e: {  	v3 =	vand.u32 $0x7, v3;
	v4 =	vand.u32 $0xFFFFFFF0, v57  }
0x2f: {  	v3 =	vor.u32 v3, v4  }
0x30: {  	v4 =	vperm.xlane v3, v0;
	_ =	sdelay $0x1  }
0x31: {  	v3 =	vperm.xlane v3, v2;
	v4 =	vadd.s32 v1, v4;
	_ =	sdelay $0x1  }
0x32: {  	v3 =	vadd.s32 v1, v3;
	_ =	sdelay $0x2  }
0x33: {  	[tilespmem:s10], [sflag:$0x1] =	stream.indirect_vreg.gather [hbm4b:s3+s2], $0x80, v4, vm0, $0xb8;
	[tilespmem:$0x9800] =	vst v63  }
0x34: {  	_ = 	snop  }
0x35: {  	[tilespmem:s11], [sflag:$0x1] =	stream.indirect_vreg.gather [hbm4b:s3+s2], $0x80, v3, vm0, $0xb8;
	[tilespmem:$0x9800] =	vst v63  }
0x36: {  	v3 =	vld [tilespmem:$0x1500];
	_ =	sdelay $0x4  }
0x37: {  	v58 =	vshll.u32 v3, $0x1  }
0x38: {  	v3 =	vand.u32 $0x7, v3;
	v4 =	vand.u32 $0xFFFFFFF0, v58  }
0x39: {  	v3 =	vor.u32 v3, v4  }
0x3a: {  	v4 =	vperm.xlane v3, v0;
	_ =	sdelay $0x1  }
0x3b: {  	v3 =	vperm.xlane v3, v2;
	v4 =	vadd.s32 v1, v4;
	_ =	sdelay $0x1  }
0x3c: {  	v3 =	vadd.s32 v1, v3;
	_ =	sdelay $0x2  }
0x3d: {  	[tilespmem:s12], [sflag:$0x1] =	stream.indirect_vreg.gather [hbm4b:s3+s2], $0x80, v4, vm0, $0xb8;
	[tilespmem:$0x9800] =	vst v63  }
0x3e: {  	_ = 	snop  }
0x3f: {  	[tilespmem:s13], [sflag:$0x1] =	stream.indirect_vreg.gather [hbm4b:s3+s2], $0x80, v3, vm0, $0xb8;
	[tilespmem:$0x9800] =	vst v63  }
0x40: {  	v3 =	vld [tilespmem:$0x1580];
	_ =	sdelay $0x4  }
0x41: {  	v59 =	vshll.u32 v3, $0x1  }
0x42: {  	v3 =	vand.u32 $0x7, v3;
	v4 =	vand.u32 $0xFFFFFFF0, v59  }
0x43: {  	v3 =	vor.u32 v3, v4  }
0x44: {  	v4 =	vperm.xlane v3, v0;
	_ =	sdelay $0x1  }
0x45: {  	v3 =	vperm.xlane v3, v2;
	v4 =	vadd.s32 v1, v4;
	_ =	sdelay $0x1  }
0x46: {  	v3 =	vadd.s32 v1, v3;
	_ =	sdelay $0x2  }
0x47: {  	[tilespmem:s14], [sflag:$0x1] =	stream.indirect_vreg.gather [hbm4b:s3+s2], $0x80, v4, vm0, $0xb8;
	[tilespmem:$0x9800] =	vst v63  }
0x48: {  	_ = 	snop  }
0x49: {  	[tilespmem:s15], [sflag:$0x1] =	stream.indirect_vreg.gather [hbm4b:s3+s2], $0x80, v3, vm0, $0xb8;
	[tilespmem:$0x9800] =	vst v63  }
0x4a: {  	v3 =	vld [tilespmem:$0x1600];
	_ =	sdelay $0x4  }
0x4b: {  	v60 =	vshll.u32 v3, $0x1  }
0x4c: {  	v3 =	vand.u32 $0x7, v3;
	v4 =	vand.u32 $0xFFFFFFF0, v60  }
0x4d: {  	v3 =	vor.u32 v3, v4  }
0x4e: {  	v4 =	vperm.xlane v3, v0;
	_ =	sdelay $0x1  }
0x4f: {  	v3 =	vperm.xlane v3, v2;
	v4 =	vadd.s32 v1, v4;
	_ =	sdelay $0x1  }
0x50: {  	v3 =	vadd.s32 v1, v3;
	_ =	sdelay $0x2  }
0x51: {  	[tilespmem:s16], [sflag:$0x1] =	stream.indirect_vreg.gather [hbm4b:s3+s2], $0x80, v4, vm0, $0xb8;
	[tilespmem:$0x9800] =	vst v63  }
0x52: {  	_ = 	snop  }
0x53: {  	[tilespmem:s17], [sflag:$0x1] =	stream.indirect_vreg.gather [hbm4b:s3+s2], $0x80, v3, vm0, $0xb8;
	[tilespmem:$0x9800] =	vst v63  }
0x54: {  	v3 =	vld [tilespmem:$0x1680];
	_ =	sdelay $0x4  }
0x55: {  	v61 =	vshll.u32 v3, $0x1  }
0x56: {  	v3 =	vand.u32 $0x7, v3;
	v4 =	vand.u32 $0xFFFFFFF0, v61  }
0x57: {  	v3 =	vor.u32 v3, v4  }
0x58: {  	v4 =	vperm.xlane v3, v0;
	_ =	sdelay $0x1  }
0x59: {  	v3 =	vperm.xlane v3, v2;
	v4 =	vadd.s32 v1, v4;
	_ =	sdelay $0x1  }
0x5a: {  	v3 =	vadd.s32 v1, v3;
	_ =	sdelay $0x2  }
0x5b: {  	[tilespmem:s18], [sflag:$0x1] =	stream.indirect_vreg.gather [hbm4b:s3+s2], $0x80, v4, vm0, $0xb8;
	[tilespmem:$0x9800] =	vst v63  }
0x5c: {  	_ = 	snop  }
0x5d: {  	[tilespmem:s19], [sflag:$0x1] =	stream.indirect_vreg.gather [hbm4b:s3+s2], $0x80, v3, vm0, $0xb8;
	[tilespmem:$0x9800] =	vst v63  }
0x5e: {  	v3 =	vld [tilespmem:$0x1700];
	_ =	sdelay $0x4  }
0x5f: {  	v62 =	vshll.u32 v3, $0x1  }
0x60: {  	v3 =	vand.u32 $0x7, v3;
	v4 =	vand.u32 $0xFFFFFFF0, v62  }
0x61: {  	v3 =	vor.u32 v3, v4  }
0x62: {  	v4 =	vperm.xlane v3, v0;
	_ =	sdelay $0x1  }
0x63: {  	v3 =	vperm.xlane v3, v2;
	v4 =	vadd.s32 v1, v4;
	_ =	sdelay $0x1  }
0x64: {  	v3 =	vadd.s32 v1, v3;
	_ =	sdelay $0x2  }
0x65: {  	[tilespmem:s20], [sflag:$0x1] =	stream.indirect_vreg.gather [hbm4b:s3+s2], $0x80, v4, vm0, $0xb8;
	[tilespmem:$0x9800] =	vst v63  }
0x66: {  	_ = 	snop  }
0x67: {  	[tilespmem:s21], [sflag:$0x1] =	stream.indirect_vreg.gather [hbm4b:s3+s2], $0x80, v3, vm0, $0xb8;
	[tilespmem:$0x9800] =	vst v63  }
0x68: {  	v3 =	vld [tilespmem:$0x1780];
	_ =	sdelay $0x4  }
0x69: {  	v63 =	vshll.u32 v3, $0x1  }
0x6a: {  	v3 =	vand.u32 $0x7, v3;
	v4 =	vand.u32 $0xFFFFFFF0, v63  }
0x6b: {  	v3 =	vor.u32 v3, v4  }
0x6c: {  	v4 =	vperm.xlane v3, v0;
	_ =	sdelay $0x1  }
0x6d: {  	v3 =	vperm.xlane v3, v2;
	v4 =	vadd.s32 v1, v4;
	_ =	sdelay $0x1  }
0x6e: {  	v3 =	vadd.s32 v1, v3;
	_ =	sdelay $0x2  }
0x6f: {  	[tilespmem:s22], [sflag:$0x1] =	stream.indirect_vreg.gather [hbm4b:s3+s2], $0x80, v4, vm0, $0xb8;
	[tilespmem:$0x9800] =	vst v63  }
0x70: {  	_ = 	snop  }
0x71: {  	[tilespmem:s23], [sflag:$0x1] =	stream.indirect_vreg.gather [hbm4b:s3+s2], $0x80, v3, vm0, $0xb8;
	[tilespmem:$0x9800] =	vst v63  }
0x72: {  	_ =	swait.ge [sflag:s24], $0x1000  }
0x73: {  	[sflag:s24] =	ssyncset.done $0x0  }
0x74: {  	[sflag:s24] =	ssyncadd.s32 $0xFFFFF000  }
0x75: {  	_ =	swait.ge [sflag:s24], $0x1000  }
0x76: {  	[sflag:s24] =	ssyncset.done $0x0  }
0x77: {  	[sflag:s24] =	ssyncadd.s32 $0xFFFFF000  }
0x78: {  	_ =	swait.ge [sflag:s24], $0x1000  }
0x79: {  	[sflag:s24] =	ssyncset.done $0x0  }
0x7a: {  	[sflag:s24] =	ssyncadd.s32 $0xFFFFF000  }
0x7b: {  	_ =	swait.ge [sflag:s24], $0x1000  }
0x7c: {  	[sflag:s24] =	ssyncset.done $0x0  }
0x7d: {  	[sflag:s24] =	ssyncadd.s32 $0xFFFFF000  }
0x7e: {  	_ =	swait.ge [sflag:s24], $0x1000  }
0x7f: {  	[sflag:s24] =	ssyncset.done $0x0  }
0x80: {  	[sflag:s24] =	ssyncadd.s32 $0xFFFFF000  }
0x81: {  	_ =	swait.ge [sflag:s24], $0x1000  }
0x82: {  	[sflag:s24] =	ssyncset.done $0x0  }
0x83: {  	[sflag:s24] =	ssyncadd.s32 $0xFFFFF000  }
0x84: {  	_ =	swait.ge [sflag:s24], $0x1000  }
0x85: {  	[sflag:s24] =	ssyncset.done $0x0  }
0x86: {  	[sflag:s24] =	ssyncadd.s32 $0xFFFFF000  }
0x87: {  	_ =	swait.ge [sflag:s24], $0x1000  }
0x88: {  	p0 =	sne.s32 s28, $0x27000;
	[sflag:s24] =	ssyncset.done $0x0  }
.Ltmp0:
0x89: {  	s29 =	sadd.s32 s28, s6;
	[sflag:s24] =	ssyncadd.s32 $0xFFFFF000;
	(pc) =	sbr.rel @p0 .LBB2_2-.Ltmp0, $4  }
0x8a: {  	[hbm4b:s29+s2] =	stream.linear.scatter [tilespmem:s8], [sflag:$0x2], $0x8000, $0x38;
	[tilespmem:$0x9800] =	vst v63  }
0x8b: {  	_ =	swait.ge [sflag:s7], $0x8000  }
0x8c: {  	[sflag:s7] =	ssyncset.done $0x0  }
0x8d: {  	s28 =	sadd.s32 $0x1000, s28;
	s26 =	sadd.s32 $0x80, s26;
	[sflag:s7] =	ssyncadd.s32 $0xFFFF8000  }
0x8e: {  	s25 =	sadd.s32 $0x1, s25  }
0x8f: {  	p0 =	sne.s32 s25, s5  }
.Ltmp1:
0x90: {  	_ = 	snop;
	(pc) =	sbr.rel @p0 .LBB2_1-.Ltmp1, $1  }
0x91: {  	_ =	sdelay $0x3  }
0x92: {  	_ =	sfence.sel $0x180000  }
0x93: {  	[bflag:$0x0] =	sbarrier.arrive $0xFFFF  }
0x94: {  	p0 =	sne.s32 s1, $0x0;
	_ =	strace $0x90000047  }
0x95: {  	s0 =	sadd.s32 @!p0 $0x100000, s0;
	[bflag:$0x2] =	sbarrier.arrive $0xFFFF  }
0x96: {  	[sflag:s0] =	ssyncadd.tile.s32 @!p0 $0x1;
	_ =	shalt  }
.Lfunc_end2:
_tile_overlayer_lowered:
.L_overlay_start_2:
0x97: {  	(tag) =	ssettag $0x2  }
0x98: {  	s0 =	rddreg [dreg:$0x0];
	s2 =	stileid.u32  }
0x99: {  	s1 =	rddreg [dreg:$0x1];
	p0 =	sne.s32 s2, $0x0  }
0x9a: {  	s3 =	rddreg [dreg:$0x2];
	[bflag:$0x3] =	sbarrier.arrive $0xFFFF;
	s2 =	simm.s32 @!p0 $0x1C02  }
0x9b: {  	[timem:s3], [sflag:s2] =	dma.local @!p0 [hbm:s0], s1  }
0x9c: {  	s0 =	simm.s32 @!p0 $0x2  }
0x9d: {  	_ =	swait.ge @!p0 [sflag:s0], s1  }
0x9e: {  	s1 =	ssub.s32 @!p0 $0x0, s1;
	[sflag:s0] =	ssyncset.done @!p0 $0x0  }
0x9f: {  	[sflag:s0] =	ssyncadd.s32 @!p0 s1  }
0xa0: {  	[bflag:$0x3] =	sbarrier.arrive $0xFFFF  }
0xa1: {  	_ =	shalt  }

</sc_bundles>
